<compile_context>
chip_gen: v7x
topology: tpu7x:2x2x1
jax: 0.10.2.dev20260603
libtpu: 0.0.44.dev20260713+nightly
codegen_flags: <defaults>
</compile_context>

<pallas_src>
import jax
import jax.numpy as jnp
import numpy as np
from jax import lax
from jax.experimental import pallas as pl
from jax.experimental.pallas import tpu as pltpu
from jax.experimental.pallas import tpu_sc as plsc

_N_CP = 20
_B = 16384
_N_ITEMS = 1000000
_NC = 2
_NS = 16
_L = 16
_NW = _NC * _NS
_BPW = _B // _NW
_CHUNKS = _BPW // _L

_S = np.linspace(0.0, 800.0, _N_CP + 1)[1:].astype(np.float32)

_mesh = plsc.VectorSubcoreMesh(
    core_axis_name="c", subcore_axis_name="s", num_cores=_NC, num_subcores=_NS
)

_SCRATCH = [
    pltpu.VMEM((_BPW,), jnp.int32),
    pltpu.VMEM((_BPW,), jnp.float32),
    pltpu.VMEM((_BPW * _N_CP,), jnp.int32),
    pltpu.VMEM((_BPW * _N_CP,), jnp.float32),
    pltpu.VMEM((_BPW,), jnp.float32),
    pltpu.VMEM((_BPW,), jnp.float32),
    pltpu.VMEM((_BPW,), jnp.float32),
    pltpu.SemaphoreType.DMA,
    pltpu.SemaphoreType.DMA,
    pltpu.SemaphoreType.DMA,
]


def _trend_body(t_hbm, idx_hbm, m_hbm, k_hbm, dflat_hbm, out_hbm,
                idx_v, t_v, ix2_v, d_v, m_v, k_v, o_v, sem_d, sem_m, sem_k):
    wid = lax.axis_index("s") * _NC + lax.axis_index("c")
    base = wid * _BPW

    pltpu.sync_copy(idx_hbm.at[pl.ds(base, _BPW)], idx_v)
    cm = pltpu.async_copy(m_hbm.at[idx_v], m_v, sem_m)
    ck = pltpu.async_copy(k_hbm.at[idx_v], k_v, sem_k)

    def expand(c, carry):
        o = c * _L
        iv = idx_v[pl.ds(o, _L)]
        for j in range(_N_CP):
            ix2_v[pl.ds(j * _BPW + o, _L)] = iv + (j * _N_ITEMS)
        return carry

    lax.fori_loop(0, _CHUNKS, expand, 0)
    cd = pltpu.async_copy(dflat_hbm.at[ix2_v], d_v, sem_d)
    pltpu.sync_copy(t_hbm.at[pl.ds(base, _BPW)], t_v)
    cm.wait()
    ck.wait()
    cd.wait()

    def body(c, carry):
        o = c * _L
        tv = t_v[pl.ds(o, _L)]
        acc = m_v[pl.ds(o, _L)] + k_v[pl.ds(o, _L)] * tv
        for j in range(_N_CP):
            w = jnp.maximum(tv - _S[j], 0.0)
            acc = acc + w * d_v[pl.ds(j * _BPW + o, _L)]
        o_v[pl.ds(o, _L)] = acc
        return carry

    lax.fori_loop(0, _CHUNKS, body, 0)
    pltpu.sync_copy(o_v, out_hbm.at[pl.ds(base, _BPW)])


_trend_sc = pl.kernel(
    _trend_body,
    out_type=jax.ShapeDtypeStruct((_B,), jnp.float32),
    mesh=_mesh,
    compiler_params=pltpu.CompilerParams(
        needs_layout_passes=False, use_tc_tiling_on_sc=False
    ),
    scratch_types=_SCRATCH,
)


def kernel(t, idx, m_table, k_table, delta_table):
    tf = t.reshape(-1).astype(jnp.float32)
    idxf = idx.reshape(-1).astype(jnp.int32)
    mf = m_table.reshape(-1)
    kf = k_table.reshape(-1)
    dflat = jnp.swapaxes(delta_table, 0, 1).reshape(-1)
    out = _trend_sc(tf, idxf, mf, kf, dflat)
    return out.reshape(-1, 1)

# --- scband reference (transcript-rebuilt; emitter-appended) ---
"""Pipeline reference for scband-linear-trend-33973191311670 (READ-ONLY COPY).

The authoritative reference and input builder live on the scoring server;
editing this copy changes nothing except your own understanding.
"""

import jax, jax.numpy as jnp
import numpy as np

N_ITEMS = 1000000
N_CP = 20
T0 = 0.0
T1 = 1000
CP_RANGE = 0.8
B = 16384


def setup_inputs(seed: int = 0) -> dict:
    key = jax.random.key(seed)
    k1, k2, k3, k4 = jax.random.split(key, 4)
    t = jnp.arange(B * 1, dtype=jnp.float32).reshape(B, 1)
    idx = jax.random.randint(k1, (B, 1), 0, N_ITEMS)
    m_table = jax.random.normal(k2, (N_ITEMS, 1), dtype=jnp.float32) * 0.05
    k_table = jax.random.normal(k3, (N_ITEMS, 1), dtype=jnp.float32) * 0.05
    delta_table = jax.random.normal(k4, (N_ITEMS, N_CP), dtype=jnp.float32) * 0.05
    return {"t": t, "idx": idx, "m_table": m_table, "k_table": k_table, "delta_table": delta_table}


def reference(t, idx, m_table, k_table, delta_table):
    # Embedding lookups (input_length=1, then Reshape) -> per-row params
    flat = idx.reshape(-1)
    m = jnp.take(m_table, flat, axis=0).reshape(-1, 1)          # [B, 1]
    k = jnp.take(k_table, flat, axis=0).reshape(-1, 1)          # [B, 1]
    delta = jnp.take(delta_table, flat, axis=0).reshape(-1, 1, N_CP)  # [B, 1, n_cp]
    # changepoints = tf.linspace(t_range[0], int(changepoint_range * t_range[1]), n_cp + 1)
    changepoints = jnp.linspace(float(T0), float(int(CP_RANGE * T1)), N_CP + 1)
    s = changepoints[1:].astype(jnp.float32)                    # [n_cp]
    # trend computation
    a_t = t > s                                                 # [B, n_cp] via broadcast
    A = a_t.astype(jnp.float32)[:, None, :]                     # [B, 1, n_cp]
    trend = (jnp.sum(A * delta, axis=-1) + k) * t               # [B, 1]
    gamma = -s[None, None, :] * delta                           # [B, 1, n_cp]
    offset = jnp.sum(A * gamma, axis=-1) + m                    # [B, 1]
    return trend + offset

if __name__ == "__main__":
    import jax
    _d = setup_inputs()
    print(jax.jit(kernel)(*tuple(_d.values())))

</pallas_src>

<mosaic_0001>
#map = affine_map<(d0, d1) -> (0)>
module attributes {stable_mosaic.version = 14 : i64} {
  func.func @_trend_body(%arg0: i32, %arg1: i32, %arg2: memref<16384xf32, #tpu.memory_space<hbm>>, %arg3: memref<16384xi32, #tpu.memory_space<hbm>>, %arg4: memref<1000000xf32, #tpu.memory_space<hbm>>, %arg5: memref<1000000xf32, #tpu.memory_space<hbm>>, %arg6: memref<20000000xf32, #tpu.memory_space<hbm>>, %arg7: memref<16384xf32, #tpu.memory_space<hbm>>, %arg8: memref<512xi32, #tpu.memory_space<vmem>>, %arg9: memref<512xf32, #tpu.memory_space<vmem>>, %arg10: memref<10240xi32, #tpu.memory_space<vmem>>, %arg11: memref<10240xf32, #tpu.memory_space<vmem>>, %arg12: memref<512xf32, #tpu.memory_space<vmem>>, %arg13: memref<512xf32, #tpu.memory_space<vmem>>, %arg14: memref<512xf32, #tpu.memory_space<vmem>>, %arg15: memref<!tpu.dma_semaphore, #tpu.memory_space<semaphore_mem>>, %arg16: memref<!tpu.dma_semaphore, #tpu.memory_space<semaphore_mem>>, %arg17: memref<!tpu.dma_semaphore, #tpu.memory_space<semaphore_mem>>) attributes {dimension_semantics = [#tpu.dimension_semantics<core_parallel>, #tpu.dimension_semantics<subcore_parallel>], iteration_bounds = array<i64: 2, 16>, scalar_prefetch = 0 : i64, scratch_operands = 10 : i64, tpu.core_type = #tpu.core_type<sc_vector_subcore>, window_params = [{transform_indices = #map}, {transform_indices = #map}, {transform_indices = #map}, {transform_indices = #map}, {transform_indices = #map}, {transform_indices = #map}]} {
    %mul3A = arith.constant 2 : i32
    %mul3A_0 = arith.muli %arg1, %mul3A : i32
    %add3A = arith.addi %mul3A_0, %arg0 : i32
    %mul3A_1 = arith.constant 512 : i32
    %mul3A_2 = arith.muli %add3A, %mul3A_1 : i32
    "tpu.region"() ({
      %run_scoped3A = tpu.sem_alloc : memref<!tpu.dma_semaphore, #tpu.memory_space<semaphore_mem>>
      %dma_start3A_24 = tpu.memref_slice %arg3[%mul3A_2] : memref<16384xi32, #tpu.memory_space<hbm>> -> memref<512xi32, #tpu.memory_space<hbm>>
      %dma_start3A_25 = tpu.memref_slice %arg3[%mul3A_2] : memref<16384xi32, #tpu.memory_space<hbm>> -> memref<512xi32, #tpu.memory_space<hbm>>
      tpu.enqueue_dma source(%dma_start3A_25 : memref<512xi32, #tpu.memory_space<hbm>>) target(%arg8 : memref<512xi32, #tpu.memory_space<vmem>>) target_semaphore(%run_scoped3A : memref<!tpu.dma_semaphore, #tpu.memory_space<semaphore_mem>>)
      %dma_wait3A_26 = tpu.memref_slice %arg3[%mul3A_2] : memref<16384xi32, #tpu.memory_space<hbm>> -> memref<512xi32, #tpu.memory_space<hbm>>
      %dma_wait3A_27 = tpu.memref_slice %arg3[%mul3A_2] : memref<16384xi32, #tpu.memory_space<hbm>> -> memref<512xi32, #tpu.memory_space<hbm>>
      tpu.wait_dma2 semaphore(%run_scoped3A : memref<!tpu.dma_semaphore, #tpu.memory_space<semaphore_mem>>) src(%dma_wait3A_27 : memref<512xi32, #tpu.memory_space<hbm>>) dst(%arg8 : memref<512xi32, #tpu.memory_space<vmem>>)
      tpu.yield
    }) : () -> ()
    %dma_start3A = arith.constant 0 : i32
    %dma_start3A_3 = tpu.memref_slice %arg4[%dma_start3A] : memref<1000000xf32, #tpu.memory_space<hbm>> -> memref<1000000xf32, #tpu.memory_space<hbm>>
    tpu.enqueue_indirect_dma source(%dma_start3A_3 : memref<1000000xf32, #tpu.memory_space<hbm>>) target(%arg12 : memref<512xf32, #tpu.memory_space<vmem>>) offsets(%arg8 : memref<512xi32, #tpu.memory_space<vmem>>) semaphore(%arg16 : memref<!tpu.dma_semaphore, #tpu.memory_space<semaphore_mem>>)
    %dma_start3A_4 = arith.constant 0 : i32
    %dma_start3A_5 = tpu.memref_slice %arg5[%dma_start3A_4] : memref<1000000xf32, #tpu.memory_space<hbm>> -> memref<1000000xf32, #tpu.memory_space<hbm>>
    tpu.enqueue_indirect_dma source(%dma_start3A_5 : memref<1000000xf32, #tpu.memory_space<hbm>>) target(%arg13 : memref<512xf32, #tpu.memory_space<vmem>>) offsets(%arg8 : memref<512xi32, #tpu.memory_space<vmem>>) semaphore(%arg17 : memref<!tpu.dma_semaphore, #tpu.memory_space<semaphore_mem>>)
    %scan3A = arith.constant 0 : i32
    %scan3A_6 = arith.constant 0 : i32
    %scan3A_7 = arith.constant 32 : i32
    %scan3A_8 = arith.addi %scan3A_6, %scan3A_7 : i32
    %scan3A_9 = arith.constant 1 : i32
    scf.for %scan3A_24 = %scan3A_6 to %scan3A_8 step %scan3A_9  : i32 {
      %mul3A_25 = arith.constant 16 : i32
      %mul3A_26 = arith.muli %scan3A_24, %mul3A_25 : i32
      %get3A = arith.index_cast %mul3A_26 : i32 to index
      %get3A_27 = tpu.vector_load %arg8[%get3A] {strides = array<i32>} : memref<512xi32, #tpu.memory_space<vmem>>, vector<16xi32>,
      %add3A_28 = arith.constant 0 : i32
      %add3A_29 = vector.broadcast %add3A_28 : i32 to vector<16xi32>
      %add3A_30 = arith.addi %get3A_27, %add3A_29 : vector<16xi32>
      %add3A_31 = arith.constant 0 : i32
      %add3A_32 = arith.addi %add3A_31, %mul3A_26 : i32
      %swap3A = arith.index_cast %add3A_32 : i32 to index
      %swap3A_33 = tpu.vector_load %arg10[%swap3A] {strides = array<i32>} : memref<10240xi32, #tpu.memory_space<vmem>>, vector<16xi32>,
      tpu.vector_store %arg10[%swap3A], %add3A_30 {strides = array<i32>} : memref<10240xi32, #tpu.memory_space<vmem>>, vector<16xi32>,
      %add3A_34 = arith.constant 1000000 : i32
      %add3A_35 = vector.broadcast %add3A_34 : i32 to vector<16xi32>
      %add3A_36 = arith.addi %get3A_27, %add3A_35 : vector<16xi32>
      %add3A_37 = arith.constant 512 : i32
      %add3A_38 = arith.addi %add3A_37, %mul3A_26 : i32
      %swap3A_39 = arith.index_cast %add3A_38 : i32 to index
      %swap3A_40 = tpu.vector_load %arg10[%swap3A_39] {strides = array<i32>} : memref<10240xi32, #tpu.memory_space<vmem>>, vector<16xi32>,
      tpu.vector_store %arg10[%swap3A_39], %add3A_36 {strides = array<i32>} : memref<10240xi32, #tpu.memory_space<vmem>>, vector<16xi32>,
      %add3A_41 = arith.constant 2000000 : i32
      %add3A_42 = vector.broadcast %add3A_41 : i32 to vector<16xi32>
      %add3A_43 = arith.addi %get3A_27, %add3A_42 : vector<16xi32>
      %add3A_44 = arith.constant 1024 : i32
      %add3A_45 = arith.addi %add3A_44, %mul3A_26 : i32
      %swap3A_46 = arith.index_cast %add3A_45 : i32 to index
      %swap3A_47 = tpu.vector_load %arg10[%swap3A_46] {strides = array<i32>} : memref<10240xi32, #tpu.memory_space<vmem>>, vector<16xi32>,
      tpu.vector_store %arg10[%swap3A_46], %add3A_43 {strides = array<i32>} : memref<10240xi32, #tpu.memory_space<vmem>>, vector<16xi32>,
      %add3A_48 = arith.constant 3000000 : i32
      %add3A_49 = vector.broadcast %add3A_48 : i32 to vector<16xi32>
      %add3A_50 = arith.addi %get3A_27, %add3A_49 : vector<16xi32>
      %add3A_51 = arith.constant 1536 : i32
      %add3A_52 = arith.addi %add3A_51, %mul3A_26 : i32
      %swap3A_53 = arith.index_cast %add3A_52 : i32 to index
      %swap3A_54 = tpu.vector_load %arg10[%swap3A_53] {strides = array<i32>} : memref<10240xi32, #tpu.memory_space<vmem>>, vector<16xi32>,
      tpu.vector_store %arg10[%swap3A_53], %add3A_50 {strides = array<i32>} : memref<10240xi32, #tpu.memory_space<vmem>>, vector<16xi32>,
      %add3A_55 = arith.constant 4000000 : i32
      %add3A_56 = vector.broadcast %add3A_55 : i32 to vector<16xi32>
      %add3A_57 = arith.addi %get3A_27, %add3A_56 : vector<16xi32>
      %add3A_58 = arith.constant 2048 : i32
      %add3A_59 = arith.addi %add3A_58, %mul3A_26 : i32
      %swap3A_60 = arith.index_cast %add3A_59 : i32 to index
      %swap3A_61 = tpu.vector_load %arg10[%swap3A_60] {strides = array<i32>} : memref<10240xi32, #tpu.memory_space<vmem>>, vector<16xi32>,
      tpu.vector_store %arg10[%swap3A_60], %add3A_57 {strides = array<i32>} : memref<10240xi32, #tpu.memory_space<vmem>>, vector<16xi32>,
      %add3A_62 = arith.constant 5000000 : i32
      %add3A_63 = vector.broadcast %add3A_62 : i32 to vector<16xi32>
      %add3A_64 = arith.addi %get3A_27, %add3A_63 : vector<16xi32>
      %add3A_65 = arith.constant 2560 : i32
      %add3A_66 = arith.addi %add3A_65, %mul3A_26 : i32
      %swap3A_67 = arith.index_cast %add3A_66 : i32 to index
      %swap3A_68 = tpu.vector_load %arg10[%swap3A_67] {strides = array<i32>} : memref<10240xi32, #tpu.memory_space<vmem>>, vector<16xi32>,
      tpu.vector_store %arg10[%swap3A_67], %add3A_64 {strides = array<i32>} : memref<10240xi32, #tpu.memory_space<vmem>>, vector<16xi32>,
      %add3A_69 = arith.constant 6000000 : i32
      %add3A_70 = vector.broadcast %add3A_69 : i32 to vector<16xi32>
      %add3A_71 = arith.addi %get3A_27, %add3A_70 : vector<16xi32>
      %add3A_72 = arith.constant 3072 : i32
      %add3A_73 = arith.addi %add3A_72, %mul3A_26 : i32
      %swap3A_74 = arith.index_cast %add3A_73 : i32 to index
      %swap3A_75 = tpu.vector_load %arg10[%swap3A_74] {strides = array<i32>} : memref<10240xi32, #tpu.memory_space<vmem>>, vector<16xi32>,
      tpu.vector_store %arg10[%swap3A_74], %add3A_71 {strides = array<i32>} : memref<10240xi32, #tpu.memory_space<vmem>>, vector<16xi32>,
      %add3A_76 = arith.constant 7000000 : i32
      %add3A_77 = vector.broadcast %add3A_76 : i32 to vector<16xi32>
      %add3A_78 = arith.addi %get3A_27, %add3A_77 : vector<16xi32>
      %add3A_79 = arith.constant 3584 : i32
      %add3A_80 = arith.addi %add3A_79, %mul3A_26 : i32
      %swap3A_81 = arith.index_cast %add3A_80 : i32 to index
      %swap3A_82 = tpu.vector_load %arg10[%swap3A_81] {strides = array<i32>} : memref<10240xi32, #tpu.memory_space<vmem>>, vector<16xi32>,
      tpu.vector_store %arg10[%swap3A_81], %add3A_78 {strides = array<i32>} : memref<10240xi32, #tpu.memory_space<vmem>>, vector<16xi32>,
      %add3A_83 = arith.constant 8000000 : i32
      %add3A_84 = vector.broadcast %add3A_83 : i32 to vector<16xi32>
      %add3A_85 = arith.addi %get3A_27, %add3A_84 : vector<16xi32>
      %add3A_86 = arith.constant 4096 : i32
      %add3A_87 = arith.addi %add3A_86, %mul3A_26 : i32
      %swap3A_88 = arith.index_cast %add3A_87 : i32 to index
      %swap3A_89 = tpu.vector_load %arg10[%swap3A_88] {strides = array<i32>} : memref<10240xi32, #tpu.memory_space<vmem>>, vector<16xi32>,
      tpu.vector_store %arg10[%swap3A_88], %add3A_85 {strides = array<i32>} : memref<10240xi32, #tpu.memory_space<vmem>>, vector<16xi32>,
      %add3A_90 = arith.constant 9000000 : i32
      %add3A_91 = vector.broadcast %add3A_90 : i32 to vector<16xi32>
      %add3A_92 = arith.addi %get3A_27, %add3A_91 : vector<16xi32>
      %add3A_93 = arith.constant 4608 : i32
      %add3A_94 = arith.addi %add3A_93, %mul3A_26 : i32
      %swap3A_95 = arith.index_cast %add3A_94 : i32 to index
      %swap3A_96 = tpu.vector_load %arg10[%swap3A_95] {strides = array<i32>} : memref<10240xi32, #tpu.memory_space<vmem>>, vector<16xi32>,
      tpu.vector_store %arg10[%swap3A_95], %add3A_92 {strides = array<i32>} : memref<10240xi32, #tpu.memory_space<vmem>>, vector<16xi32>,
      %add3A_97 = arith.constant 10000000 : i32
      %add3A_98 = vector.broadcast %add3A_97 : i32 to vector<16xi32>
      %add3A_99 = arith.addi %get3A_27, %add3A_98 : vector<16xi32>
      %add3A_100 = arith.constant 5120 : i32
      %add3A_101 = arith.addi %add3A_100, %mul3A_26 : i32
      %swap3A_102 = arith.index_cast %add3A_101 : i32 to index
      %swap3A_103 = tpu.vector_load %arg10[%swap3A_102] {strides = array<i32>} : memref<10240xi32, #tpu.memory_space<vmem>>, vector<16xi32>,
      tpu.vector_store %arg10[%swap3A_102], %add3A_99 {strides = array<i32>} : memref<10240xi32, #tpu.memory_space<vmem>>, vector<16xi32>,
      %add3A_104 = arith.constant 11000000 : i32
      %add3A_105 = vector.broadcast %add3A_104 : i32 to vector<16xi32>
      %add3A_106 = arith.addi %get3A_27, %add3A_105 : vector<16xi32>
      %add3A_107 = arith.constant 5632 : i32
      %add3A_108 = arith.addi %add3A_107, %mul3A_26 : i32
      %swap3A_109 = arith.index_cast %add3A_108 : i32 to index
      %swap3A_110 = tpu.vector_load %arg10[%swap3A_109] {strides = array<i32>} : memref<10240xi32, #tpu.memory_space<vmem>>, vector<16xi32>,
      tpu.vector_store %arg10[%swap3A_109], %add3A_106 {strides = array<i32>} : memref<10240xi32, #tpu.memory_space<vmem>>, vector<16xi32>,
      %add3A_111 = arith.constant 12000000 : i32
      %add3A_112 = vector.broadcast %add3A_111 : i32 to vector<16xi32>
      %add3A_113 = arith.addi %get3A_27, %add3A_112 : vector<16xi32>
      %add3A_114 = arith.constant 6144 : i32
      %add3A_115 = arith.addi %add3A_114, %mul3A_26 : i32
      %swap3A_116 = arith.index_cast %add3A_115 : i32 to index
      %swap3A_117 = tpu.vector_load %arg10[%swap3A_116] {strides = array<i32>} : memref<10240xi32, #tpu.memory_space<vmem>>, vector<16xi32>,
      tpu.vector_store %arg10[%swap3A_116], %add3A_113 {strides = array<i32>} : memref<10240xi32, #tpu.memory_space<vmem>>, vector<16xi32>,
      %add3A_118 = arith.constant 13000000 : i32
      %add3A_119 = vector.broadcast %add3A_118 : i32 to vector<16xi32>
      %add3A_120 = arith.addi %get3A_27, %add3A_119 : vector<16xi32>
      %add3A_121 = arith.constant 6656 : i32
      %add3A_122 = arith.addi %add3A_121, %mul3A_26 : i32
      %swap3A_123 = arith.index_cast %add3A_122 : i32 to index
      %swap3A_124 = tpu.vector_load %arg10[%swap3A_123] {strides = array<i32>} : memref<10240xi32, #tpu.memory_space<vmem>>, vector<16xi32>,
      tpu.vector_store %arg10[%swap3A_123], %add3A_120 {strides = array<i32>} : memref<10240xi32, #tpu.memory_space<vmem>>, vector<16xi32>,
      %add3A_125 = arith.constant 14000000 : i32
      %add3A_126 = vector.broadcast %add3A_125 : i32 to vector<16xi32>
      %add3A_127 = arith.addi %get3A_27, %add3A_126 : vector<16xi32>
      %add3A_128 = arith.constant 7168 : i32
      %add3A_129 = arith.addi %add3A_128, %mul3A_26 : i32
      %swap3A_130 = arith.index_cast %add3A_129 : i32 to index
      %swap3A_131 = tpu.vector_load %arg10[%swap3A_130] {strides = array<i32>} : memref<10240xi32, #tpu.memory_space<vmem>>, vector<16xi32>,
      tpu.vector_store %arg10[%swap3A_130], %add3A_127 {strides = array<i32>} : memref<10240xi32, #tpu.memory_space<vmem>>, vector<16xi32>,
      %add3A_132 = arith.constant 15000000 : i32
      %add3A_133 = vector.broadcast %add3A_132 : i32 to vector<16xi32>
      %add3A_134 = arith.addi %get3A_27, %add3A_133 : vector<16xi32>
      %add3A_135 = arith.constant 7680 : i32
      %add3A_136 = arith.addi %add3A_135, %mul3A_26 : i32
      %swap3A_137 = arith.index_cast %add3A_136 : i32 to index
      %swap3A_138 = tpu.vector_load %arg10[%swap3A_137] {strides = array<i32>} : memref<10240xi32, #tpu.memory_space<vmem>>, vector<16xi32>,
      tpu.vector_store %arg10[%swap3A_137], %add3A_134 {strides = array<i32>} : memref<10240xi32, #tpu.memory_space<vmem>>, vector<16xi32>,
      %add3A_139 = arith.constant 16000000 : i32
      %add3A_140 = vector.broadcast %add3A_139 : i32 to vector<16xi32>
      %add3A_141 = arith.addi %get3A_27, %add3A_140 : vector<16xi32>
      %add3A_142 = arith.constant 8192 : i32
      %add3A_143 = arith.addi %add3A_142, %mul3A_26 : i32
      %swap3A_144 = arith.index_cast %add3A_143 : i32 to index
      %swap3A_145 = tpu.vector_load %arg10[%swap3A_144] {strides = array<i32>} : memref<10240xi32, #tpu.memory_space<vmem>>, vector<16xi32>,
      tpu.vector_store %arg10[%swap3A_144], %add3A_141 {strides = array<i32>} : memref<10240xi32, #tpu.memory_space<vmem>>, vector<16xi32>,
      %add3A_146 = arith.constant 17000000 : i32
      %add3A_147 = vector.broadcast %add3A_146 : i32 to vector<16xi32>
      %add3A_148 = arith.addi %get3A_27, %add3A_147 : vector<16xi32>
      %add3A_149 = arith.constant 8704 : i32
      %add3A_150 = arith.addi %add3A_149, %mul3A_26 : i32
      %swap3A_151 = arith.index_cast %add3A_150 : i32 to index
      %swap3A_152 = tpu.vector_load %arg10[%swap3A_151] {strides = array<i32>} : memref<10240xi32, #tpu.memory_space<vmem>>, vector<16xi32>,
      tpu.vector_store %arg10[%swap3A_151], %add3A_148 {strides = array<i32>} : memref<10240xi32, #tpu.memory_space<vmem>>, vector<16xi32>,
      %add3A_153 = arith.constant 18000000 : i32
      %add3A_154 = vector.broadcast %add3A_153 : i32 to vector<16xi32>
      %add3A_155 = arith.addi %get3A_27, %add3A_154 : vector<16xi32>
      %add3A_156 = arith.constant 9216 : i32
      %add3A_157 = arith.addi %add3A_156, %mul3A_26 : i32
      %swap3A_158 = arith.index_cast %add3A_157 : i32 to index
      %swap3A_159 = tpu.vector_load %arg10[%swap3A_158] {strides = array<i32>} : memref<10240xi32, #tpu.memory_space<vmem>>, vector<16xi32>,
      tpu.vector_store %arg10[%swap3A_158], %add3A_155 {strides = array<i32>} : memref<10240xi32, #tpu.memory_space<vmem>>, vector<16xi32>,
      %add3A_160 = arith.constant 19000000 : i32
      %add3A_161 = vector.broadcast %add3A_160 : i32 to vector<16xi32>
      %add3A_162 = arith.addi %get3A_27, %add3A_161 : vector<16xi32>
      %add3A_163 = arith.constant 9728 : i32
      %add3A_164 = arith.addi %add3A_163, %mul3A_26 : i32
      %swap3A_165 = arith.index_cast %add3A_164 : i32 to index
      %swap3A_166 = tpu.vector_load %arg10[%swap3A_165] {strides = array<i32>} : memref<10240xi32, #tpu.memory_space<vmem>>, vector<16xi32>,
      tpu.vector_store %arg10[%swap3A_165], %add3A_162 {strides = array<i32>} : memref<10240xi32, #tpu.memory_space<vmem>>, vector<16xi32>,
    }
    %scan3A_10 = arith.constant 32 : i32
    %dma_start3A_11 = arith.constant 0 : i32
    %dma_start3A_12 = tpu.memref_slice %arg6[%dma_start3A_11] : memref<20000000xf32, #tpu.memory_space<hbm>> -> memref<20000000xf32, #tpu.memory_space<hbm>>
    tpu.enqueue_indirect_dma source(%dma_start3A_12 : memref<20000000xf32, #tpu.memory_space<hbm>>) target(%arg11 : memref<10240xf32, #tpu.memory_space<vmem>>) offsets(%arg10 : memref<10240xi32, #tpu.memory_space<vmem>>) semaphore(%arg15 : memref<!tpu.dma_semaphore, #tpu.memory_space<semaphore_mem>>)
    "tpu.region"() ({
      %run_scoped3A = tpu.sem_alloc : memref<!tpu.dma_semaphore, #tpu.memory_space<semaphore_mem>>
      %dma_start3A_24 = tpu.memref_slice %arg2[%mul3A_2] : memref<16384xf32, #tpu.memory_space<hbm>> -> memref<512xf32, #tpu.memory_space<hbm>>
      %dma_start3A_25 = tpu.memref_slice %arg2[%mul3A_2] : memref<16384xf32, #tpu.memory_space<hbm>> -> memref<512xf32, #tpu.memory_space<hbm>>
      tpu.enqueue_dma source(%dma_start3A_25 : memref<512xf32, #tpu.memory_space<hbm>>) target(%arg9 : memref<512xf32, #tpu.memory_space<vmem>>) target_semaphore(%run_scoped3A : memref<!tpu.dma_semaphore, #tpu.memory_space<semaphore_mem>>)
      %dma_wait3A_26 = tpu.memref_slice %arg2[%mul3A_2] : memref<16384xf32, #tpu.memory_space<hbm>> -> memref<512xf32, #tpu.memory_space<hbm>>
      %dma_wait3A_27 = tpu.memref_slice %arg2[%mul3A_2] : memref<16384xf32, #tpu.memory_space<hbm>> -> memref<512xf32, #tpu.memory_space<hbm>>
      tpu.wait_dma2 semaphore(%run_scoped3A : memref<!tpu.dma_semaphore, #tpu.memory_space<semaphore_mem>>) src(%dma_wait3A_27 : memref<512xf32, #tpu.memory_space<hbm>>) dst(%arg9 : memref<512xf32, #tpu.memory_space<vmem>>)
      tpu.yield
    }) : () -> ()
    %dma_wait3A = arith.constant 0 : i32
    %dma_wait3A_13 = tpu.memref_slice %arg4[%dma_wait3A] : memref<1000000xf32, #tpu.memory_space<hbm>> -> memref<1000000xf32, #tpu.memory_space<hbm>>
    tpu.wait_indirect_dma semaphore(%arg16 : memref<!tpu.dma_semaphore, #tpu.memory_space<semaphore_mem>>) src(%dma_wait3A_13 : memref<1000000xf32, #tpu.memory_space<hbm>>) dst(%arg12 : memref<512xf32, #tpu.memory_space<vmem>>)
    %dma_wait3A_14 = arith.constant 0 : i32
    %dma_wait3A_15 = tpu.memref_slice %arg5[%dma_wait3A_14] : memref<1000000xf32, #tpu.memory_space<hbm>> -> memref<1000000xf32, #tpu.memory_space<hbm>>
    tpu.wait_indirect_dma semaphore(%arg17 : memref<!tpu.dma_semaphore, #tpu.memory_space<semaphore_mem>>) src(%dma_wait3A_15 : memref<1000000xf32, #tpu.memory_space<hbm>>) dst(%arg13 : memref<512xf32, #tpu.memory_space<vmem>>)
    %dma_wait3A_16 = arith.constant 0 : i32
    %dma_wait3A_17 = tpu.memref_slice %arg6[%dma_wait3A_16] : memref<20000000xf32, #tpu.memory_space<hbm>> -> memref<20000000xf32, #tpu.memory_space<hbm>>
    tpu.wait_indirect_dma semaphore(%arg15 : memref<!tpu.dma_semaphore, #tpu.memory_space<semaphore_mem>>) src(%dma_wait3A_17 : memref<20000000xf32, #tpu.memory_space<hbm>>) dst(%arg11 : memref<10240xf32, #tpu.memory_space<vmem>>)
    %scan3A_18 = arith.constant 0 : i32
    %scan3A_19 = arith.constant 0 : i32
    %scan3A_20 = arith.constant 32 : i32
    %scan3A_21 = arith.addi %scan3A_19, %scan3A_20 : i32
    %scan3A_22 = arith.constant 1 : i32
    scf.for %scan3A_24 = %scan3A_19 to %scan3A_21 step %scan3A_22  : i32 {
      %mul3A_25 = arith.constant 16 : i32
      %mul3A_26 = arith.muli %scan3A_24, %mul3A_25 : i32
      %get3A = arith.index_cast %mul3A_26 : i32 to index
      %get3A_27 = tpu.vector_load %arg9[%get3A] {strides = array<i32>} : memref<512xf32, #tpu.memory_space<vmem>>, vector<16xf32>,
      %get3A_28 = arith.index_cast %mul3A_26 : i32 to index
      %get3A_29 = tpu.vector_load %arg12[%get3A_28] {strides = array<i32>} : memref<512xf32, #tpu.memory_space<vmem>>, vector<16xf32>,
      %get3A_30 = arith.index_cast %mul3A_26 : i32 to index
      %get3A_31 = tpu.vector_load %arg13[%get3A_30] {strides = array<i32>} : memref<512xf32, #tpu.memory_space<vmem>>, vector<16xf32>,
      %mul3A_32 = arith.mulf %get3A_31, %get3A_27 : vector<16xf32>
      %add3A_33 = arith.addf %get3A_29, %mul3A_32 : vector<16xf32>
      %sub3A = arith.constant 4.000000e+01 : f32
      %sub3A_34 = vector.broadcast %sub3A : f32 to vector<16xf32>
      %sub3A_35 = arith.subf %get3A_27, %sub3A_34 : vector<16xf32>
      %max3A = arith.constant 0.000000e+00 : f32
      %max3A_36 = vector.broadcast %max3A : f32 to vector<16xf32>
      %max3A_37 = arith.maximumf %sub3A_35, %max3A_36 : vector<16xf32>
      %add3A_38 = arith.constant 0 : i32
      %add3A_39 = arith.addi %add3A_38, %mul3A_26 : i32
      %get3A_40 = arith.index_cast %add3A_39 : i32 to index
      %get3A_41 = tpu.vector_load %arg11[%get3A_40] {strides = array<i32>} : memref<10240xf32, #tpu.memory_space<vmem>>, vector<16xf32>,
      %mul3A_42 = arith.mulf %max3A_37, %get3A_41 : vector<16xf32>
      %add3A_43 = arith.addf %add3A_33, %mul3A_42 : vector<16xf32>
      %sub3A_44 = arith.constant 8.000000e+01 : f32
      %sub3A_45 = vector.broadcast %sub3A_44 : f32 to vector<16xf32>
      %sub3A_46 = arith.subf %get3A_27, %sub3A_45 : vector<16xf32>
      %max3A_47 = arith.constant 0.000000e+00 : f32
      %max3A_48 = vector.broadcast %max3A_47 : f32 to vector<16xf32>
      %max3A_49 = arith.maximumf %sub3A_46, %max3A_48 : vector<16xf32>
      %add3A_50 = arith.constant 512 : i32
      %add3A_51 = arith.addi %add3A_50, %mul3A_26 : i32
      %get3A_52 = arith.index_cast %add3A_51 : i32 to index
      %get3A_53 = tpu.vector_load %arg11[%get3A_52] {strides = array<i32>} : memref<10240xf32, #tpu.memory_space<vmem>>, vector<16xf32>,
      %mul3A_54 = arith.mulf %max3A_49, %get3A_53 : vector<16xf32>
      %add3A_55 = arith.addf %add3A_43, %mul3A_54 : vector<16xf32>
      %sub3A_56 = arith.constant 1.200000e+02 : f32
      %sub3A_57 = vector.broadcast %sub3A_56 : f32 to vector<16xf32>
      %sub3A_58 = arith.subf %get3A_27, %sub3A_57 : vector<16xf32>
      %max3A_59 = arith.constant 0.000000e+00 : f32
      %max3A_60 = vector.broadcast %max3A_59 : f32 to vector<16xf32>
      %max3A_61 = arith.maximumf %sub3A_58, %max3A_60 : vector<16xf32>
      %add3A_62 = arith.constant 1024 : i32
      %add3A_63 = arith.addi %add3A_62, %mul3A_26 : i32
      %get3A_64 = arith.index_cast %add3A_63 : i32 to index
      %get3A_65 = tpu.vector_load %arg11[%get3A_64] {strides = array<i32>} : memref<10240xf32, #tpu.memory_space<vmem>>, vector<16xf32>,
      %mul3A_66 = arith.mulf %max3A_61, %get3A_65 : vector<16xf32>
      %add3A_67 = arith.addf %add3A_55, %mul3A_66 : vector<16xf32>
      %sub3A_68 = arith.constant 1.600000e+02 : f32
      %sub3A_69 = vector.broadcast %sub3A_68 : f32 to vector<16xf32>
      %sub3A_70 = arith.subf %get3A_27, %sub3A_69 : vector<16xf32>
      %max3A_71 = arith.constant 0.000000e+00 : f32
      %max3A_72 = vector.broadcast %max3A_71 : f32 to vector<16xf32>
      %max3A_73 = arith.maximumf %sub3A_70, %max3A_72 : vector<16xf32>
      %add3A_74 = arith.constant 1536 : i32
      %add3A_75 = arith.addi %add3A_74, %mul3A_26 : i32
      %get3A_76 = arith.index_cast %add3A_75 : i32 to index
      %get3A_77 = tpu.vector_load %arg11[%get3A_76] {strides = array<i32>} : memref<10240xf32, #tpu.memory_space<vmem>>, vector<16xf32>,
      %mul3A_78 = arith.mulf %max3A_73, %get3A_77 : vector<16xf32>
      %add3A_79 = arith.addf %add3A_67, %mul3A_78 : vector<16xf32>
      %sub3A_80 = arith.constant 2.000000e+02 : f32
      %sub3A_81 = vector.broadcast %sub3A_80 : f32 to vector<16xf32>
      %sub3A_82 = arith.subf %get3A_27, %sub3A_81 : vector<16xf32>
      %max3A_83 = arith.constant 0.000000e+00 : f32
      %max3A_84 = vector.broadcast %max3A_83 : f32 to vector<16xf32>
      %max3A_85 = arith.maximumf %sub3A_82, %max3A_84 : vector<16xf32>
      %add3A_86 = arith.constant 2048 : i32
      %add3A_87 = arith.addi %add3A_86, %mul3A_26 : i32
      %get3A_88 = arith.index_cast %add3A_87 : i32 to index
      %get3A_89 = tpu.vector_load %arg11[%get3A_88] {strides = array<i32>} : memref<10240xf32, #tpu.memory_space<vmem>>, vector<16xf32>,
      %mul3A_90 = arith.mulf %max3A_85, %get3A_89 : vector<16xf32>
      %add3A_91 = arith.addf %add3A_79, %mul3A_90 : vector<16xf32>
      %sub3A_92 = arith.constant 2.400000e+02 : f32
      %sub3A_93 = vector.broadcast %sub3A_92 : f32 to vector<16xf32>
      %sub3A_94 = arith.subf %get3A_27, %sub3A_93 : vector<16xf32>
      %max3A_95 = arith.constant 0.000000e+00 : f32
      %max3A_96 = vector.broadcast %max3A_95 : f32 to vector<16xf32>
      %max3A_97 = arith.maximumf %sub3A_94, %max3A_96 : vector<16xf32>
      %add3A_98 = arith.constant 2560 : i32
      %add3A_99 = arith.addi %add3A_98, %mul3A_26 : i32
      %get3A_100 = arith.index_cast %add3A_99 : i32 to index
      %get3A_101 = tpu.vector_load %arg11[%get3A_100] {strides = array<i32>} : memref<10240xf32, #tpu.memory_space<vmem>>, vector<16xf32>,
      %mul3A_102 = arith.mulf %max3A_97, %get3A_101 : vector<16xf32>
      %add3A_103 = arith.addf %add3A_91, %mul3A_102 : vector<16xf32>
      %sub3A_104 = arith.constant 2.800000e+02 : f32
      %sub3A_105 = vector.broadcast %sub3A_104 : f32 to vector<16xf32>
      %sub3A_106 = arith.subf %get3A_27, %sub3A_105 : vector<16xf32>
      %max3A_107 = arith.constant 0.000000e+00 : f32
      %max3A_108 = vector.broadcast %max3A_107 : f32 to vector<16xf32>
      %max3A_109 = arith.maximumf %sub3A_106, %max3A_108 : vector<16xf32>
      %add3A_110 = arith.constant 3072 : i32
      %add3A_111 = arith.addi %add3A_110, %mul3A_26 : i32
      %get3A_112 = arith.index_cast %add3A_111 : i32 to index
      %get3A_113 = tpu.vector_load %arg11[%get3A_112] {strides = array<i32>} : memref<10240xf32, #tpu.memory_space<vmem>>, vector<16xf32>,
      %mul3A_114 = arith.mulf %max3A_109, %get3A_113 : vector<16xf32>
      %add3A_115 = arith.addf %add3A_103, %mul3A_114 : vector<16xf32>
      %sub3A_116 = arith.constant 3.200000e+02 : f32
      %sub3A_117 = vector.broadcast %sub3A_116 : f32 to vector<16xf32>
      %sub3A_118 = arith.subf %get3A_27, %sub3A_117 : vector<16xf32>
      %max3A_119 = arith.constant 0.000000e+00 : f32
      %max3A_120 = vector.broadcast %max3A_119 : f32 to vector<16xf32>
      %max3A_121 = arith.maximumf %sub3A_118, %max3A_120 : vector<16xf32>
      %add3A_122 = arith.constant 3584 : i32
      %add3A_123 = arith.addi %add3A_122, %mul3A_26 : i32
      %get3A_124 = arith.index_cast %add3A_123 : i32 to index
      %get3A_125 = tpu.vector_load %arg11[%get3A_124] {strides = array<i32>} : memref<10240xf32, #tpu.memory_space<vmem>>, vector<16xf32>,
      %mul3A_126 = arith.mulf %max3A_121, %get3A_125 : vector<16xf32>
      %add3A_127 = arith.addf %add3A_115, %mul3A_126 : vector<16xf32>
      %sub3A_128 = arith.constant 3.600000e+02 : f32
      %sub3A_129 = vector.broadcast %sub3A_128 : f32 to vector<16xf32>
      %sub3A_130 = arith.subf %get3A_27, %sub3A_129 : vector<16xf32>
      %max3A_131 = arith.constant 0.000000e+00 : f32
      %max3A_132 = vector.broadcast %max3A_131 : f32 to vector<16xf32>
      %max3A_133 = arith.maximumf %sub3A_130, %max3A_132 : vector<16xf32>
      %add3A_134 = arith.constant 4096 : i32
      %add3A_135 = arith.addi %add3A_134, %mul3A_26 : i32
      %get3A_136 = arith.index_cast %add3A_135 : i32 to index
      %get3A_137 = tpu.vector_load %arg11[%get3A_136] {strides = array<i32>} : memref<10240xf32, #tpu.memory_space<vmem>>, vector<16xf32>,
      %mul3A_138 = arith.mulf %max3A_133, %get3A_137 : vector<16xf32>
      %add3A_139 = arith.addf %add3A_127, %mul3A_138 : vector<16xf32>
      %sub3A_140 = arith.constant 4.000000e+02 : f32
      %sub3A_141 = vector.broadcast %sub3A_140 : f32 to vector<16xf32>
      %sub3A_142 = arith.subf %get3A_27, %sub3A_141 : vector<16xf32>
      %max3A_143 = arith.constant 0.000000e+00 : f32
      %max3A_144 = vector.broadcast %max3A_143 : f32 to vector<16xf32>
      %max3A_145 = arith.maximumf %sub3A_142, %max3A_144 : vector<16xf32>
      %add3A_146 = arith.constant 4608 : i32
      %add3A_147 = arith.addi %add3A_146, %mul3A_26 : i32
      %get3A_148 = arith.index_cast %add3A_147 : i32 to index
      %get3A_149 = tpu.vector_load %arg11[%get3A_148] {strides = array<i32>} : memref<10240xf32, #tpu.memory_space<vmem>>, vector<16xf32>,
      %mul3A_150 = arith.mulf %max3A_145, %get3A_149 : vector<16xf32>
      %add3A_151 = arith.addf %add3A_139, %mul3A_150 : vector<16xf32>
      %sub3A_152 = arith.constant 4.400000e+02 : f32
      %sub3A_153 = vector.broadcast %sub3A_152 : f32 to vector<16xf32>
      %sub3A_154 = arith.subf %get3A_27, %sub3A_153 : vector<16xf32>
      %max3A_155 = arith.constant 0.000000e+00 : f32
      %max3A_156 = vector.broadcast %max3A_155 : f32 to vector<16xf32>
      %max3A_157 = arith.maximumf %sub3A_154, %max3A_156 : vector<16xf32>
      %add3A_158 = arith.constant 5120 : i32
      %add3A_159 = arith.addi %add3A_158, %mul3A_26 : i32
      %get3A_160 = arith.index_cast %add3A_159 : i32 to index
      %get3A_161 = tpu.vector_load %arg11[%get3A_160] {strides = array<i32>} : memref<10240xf32, #tpu.memory_space<vmem>>, vector<16xf32>,
      %mul3A_162 = arith.mulf %max3A_157, %get3A_161 : vector<16xf32>
      %add3A_163 = arith.addf %add3A_151, %mul3A_162 : vector<16xf32>
      %sub3A_164 = arith.constant 4.800000e+02 : f32
      %sub3A_165 = vector.broadcast %sub3A_164 : f32 to vector<16xf32>
      %sub3A_166 = arith.subf %get3A_27, %sub3A_165 : vector<16xf32>
      %max3A_167 = arith.constant 0.000000e+00 : f32
      %max3A_168 = vector.broadcast %max3A_167 : f32 to vector<16xf32>
      %max3A_169 = arith.maximumf %sub3A_166, %max3A_168 : vector<16xf32>
      %add3A_170 = arith.constant 5632 : i32
      %add3A_171 = arith.addi %add3A_170, %mul3A_26 : i32
      %get3A_172 = arith.index_cast %add3A_171 : i32 to index
      %get3A_173 = tpu.vector_load %arg11[%get3A_172] {strides = array<i32>} : memref<10240xf32, #tpu.memory_space<vmem>>, vector<16xf32>,
      %mul3A_174 = arith.mulf %max3A_169, %get3A_173 : vector<16xf32>
      %add3A_175 = arith.addf %add3A_163, %mul3A_174 : vector<16xf32>
      %sub3A_176 = arith.constant 5.200000e+02 : f32
      %sub3A_177 = vector.broadcast %sub3A_176 : f32 to vector<16xf32>
      %sub3A_178 = arith.subf %get3A_27, %sub3A_177 : vector<16xf32>
      %max3A_179 = arith.constant 0.000000e+00 : f32
      %max3A_180 = vector.broadcast %max3A_179 : f32 to vector<16xf32>
      %max3A_181 = arith.maximumf %sub3A_178, %max3A_180 : vector<16xf32>
      %add3A_182 = arith.constant 6144 : i32
      %add3A_183 = arith.addi %add3A_182, %mul3A_26 : i32
      %get3A_184 = arith.index_cast %add3A_183 : i32 to index
      %get3A_185 = tpu.vector_load %arg11[%get3A_184] {strides = array<i32>} : memref<10240xf32, #tpu.memory_space<vmem>>, vector<16xf32>,
      %mul3A_186 = arith.mulf %max3A_181, %get3A_185 : vector<16xf32>
      %add3A_187 = arith.addf %add3A_175, %mul3A_186 : vector<16xf32>
      %sub3A_188 = arith.constant 5.600000e+02 : f32
      %sub3A_189 = vector.broadcast %sub3A_188 : f32 to vector<16xf32>
      %sub3A_190 = arith.subf %get3A_27, %sub3A_189 : vector<16xf32>
      %max3A_191 = arith.constant 0.000000e+00 : f32
      %max3A_192 = vector.broadcast %max3A_191 : f32 to vector<16xf32>
      %max3A_193 = arith.maximumf %sub3A_190, %max3A_192 : vector<16xf32>
      %add3A_194 = arith.constant 6656 : i32
      %add3A_195 = arith.addi %add3A_194, %mul3A_26 : i32
      %get3A_196 = arith.index_cast %add3A_195 : i32 to index
      %get3A_197 = tpu.vector_load %arg11[%get3A_196] {strides = array<i32>} : memref<10240xf32, #tpu.memory_space<vmem>>, vector<16xf32>,
      %mul3A_198 = arith.mulf %max3A_193, %get3A_197 : vector<16xf32>
      %add3A_199 = arith.addf %add3A_187, %mul3A_198 : vector<16xf32>
      %sub3A_200 = arith.constant 6.000000e+02 : f32
      %sub3A_201 = vector.broadcast %sub3A_200 : f32 to vector<16xf32>
      %sub3A_202 = arith.subf %get3A_27, %sub3A_201 : vector<16xf32>
      %max3A_203 = arith.constant 0.000000e+00 : f32
      %max3A_204 = vector.broadcast %max3A_203 : f32 to vector<16xf32>
      %max3A_205 = arith.maximumf %sub3A_202, %max3A_204 : vector<16xf32>
      %add3A_206 = arith.constant 7168 : i32
      %add3A_207 = arith.addi %add3A_206, %mul3A_26 : i32
      %get3A_208 = arith.index_cast %add3A_207 : i32 to index
      %get3A_209 = tpu.vector_load %arg11[%get3A_208] {strides = array<i32>} : memref<10240xf32, #tpu.memory_space<vmem>>, vector<16xf32>,
      %mul3A_210 = arith.mulf %max3A_205, %get3A_209 : vector<16xf32>
      %add3A_211 = arith.addf %add3A_199, %mul3A_210 : vector<16xf32>
      %sub3A_212 = arith.constant 6.400000e+02 : f32
      %sub3A_213 = vector.broadcast %sub3A_212 : f32 to vector<16xf32>
      %sub3A_214 = arith.subf %get3A_27, %sub3A_213 : vector<16xf32>
      %max3A_215 = arith.constant 0.000000e+00 : f32
      %max3A_216 = vector.broadcast %max3A_215 : f32 to vector<16xf32>
      %max3A_217 = arith.maximumf %sub3A_214, %max3A_216 : vector<16xf32>
      %add3A_218 = arith.constant 7680 : i32
      %add3A_219 = arith.addi %add3A_218, %mul3A_26 : i32
      %get3A_220 = arith.index_cast %add3A_219 : i32 to index
      %get3A_221 = tpu.vector_load %arg11[%get3A_220] {strides = array<i32>} : memref<10240xf32, #tpu.memory_space<vmem>>, vector<16xf32>,
      %mul3A_222 = arith.mulf %max3A_217, %get3A_221 : vector<16xf32>
      %add3A_223 = arith.addf %add3A_211, %mul3A_222 : vector<16xf32>
      %sub3A_224 = arith.constant 6.800000e+02 : f32
      %sub3A_225 = vector.broadcast %sub3A_224 : f32 to vector<16xf32>
      %sub3A_226 = arith.subf %get3A_27, %sub3A_225 : vector<16xf32>
      %max3A_227 = arith.constant 0.000000e+00 : f32
      %max3A_228 = vector.broadcast %max3A_227 : f32 to vector<16xf32>
      %max3A_229 = arith.maximumf %sub3A_226, %max3A_228 : vector<16xf32>
      %add3A_230 = arith.constant 8192 : i32
      %add3A_231 = arith.addi %add3A_230, %mul3A_26 : i32
      %get3A_232 = arith.index_cast %add3A_231 : i32 to index
      %get3A_233 = tpu.vector_load %arg11[%get3A_232] {strides = array<i32>} : memref<10240xf32, #tpu.memory_space<vmem>>, vector<16xf32>,
      %mul3A_234 = arith.mulf %max3A_229, %get3A_233 : vector<16xf32>
      %add3A_235 = arith.addf %add3A_223, %mul3A_234 : vector<16xf32>
      %sub3A_236 = arith.constant 7.200000e+02 : f32
      %sub3A_237 = vector.broadcast %sub3A_236 : f32 to vector<16xf32>
      %sub3A_238 = arith.subf %get3A_27, %sub3A_237 : vector<16xf32>
      %max3A_239 = arith.constant 0.000000e+00 : f32
      %max3A_240 = vector.broadcast %max3A_239 : f32 to vector<16xf32>
      %max3A_241 = arith.maximumf %sub3A_238, %max3A_240 : vector<16xf32>
      %add3A_242 = arith.constant 8704 : i32
      %add3A_243 = arith.addi %add3A_242, %mul3A_26 : i32
      %get3A_244 = arith.index_cast %add3A_243 : i32 to index
      %get3A_245 = tpu.vector_load %arg11[%get3A_244] {strides = array<i32>} : memref<10240xf32, #tpu.memory_space<vmem>>, vector<16xf32>,
      %mul3A_246 = arith.mulf %max3A_241, %get3A_245 : vector<16xf32>
      %add3A_247 = arith.addf %add3A_235, %mul3A_246 : vector<16xf32>
      %sub3A_248 = arith.constant 7.600000e+02 : f32
      %sub3A_249 = vector.broadcast %sub3A_248 : f32 to vector<16xf32>
      %sub3A_250 = arith.subf %get3A_27, %sub3A_249 : vector<16xf32>
      %max3A_251 = arith.constant 0.000000e+00 : f32
      %max3A_252 = vector.broadcast %max3A_251 : f32 to vector<16xf32>
      %max3A_253 = arith.maximumf %sub3A_250, %max3A_252 : vector<16xf32>
      %add3A_254 = arith.constant 9216 : i32
      %add3A_255 = arith.addi %add3A_254, %mul3A_26 : i32
      %get3A_256 = arith.index_cast %add3A_255 : i32 to index
      %get3A_257 = tpu.vector_load %arg11[%get3A_256] {strides = array<i32>} : memref<10240xf32, #tpu.memory_space<vmem>>, vector<16xf32>,
      %mul3A_258 = arith.mulf %max3A_253, %get3A_257 : vector<16xf32>
      %add3A_259 = arith.addf %add3A_247, %mul3A_258 : vector<16xf32>
      %sub3A_260 = arith.constant 8.000000e+02 : f32
      %sub3A_261 = vector.broadcast %sub3A_260 : f32 to vector<16xf32>
      %sub3A_262 = arith.subf %get3A_27, %sub3A_261 : vector<16xf32>
      %max3A_263 = arith.constant 0.000000e+00 : f32
      %max3A_264 = vector.broadcast %max3A_263 : f32 to vector<16xf32>
      %max3A_265 = arith.maximumf %sub3A_262, %max3A_264 : vector<16xf32>
      %add3A_266 = arith.constant 9728 : i32
      %add3A_267 = arith.addi %add3A_266, %mul3A_26 : i32
      %get3A_268 = arith.index_cast %add3A_267 : i32 to index
      %get3A_269 = tpu.vector_load %arg11[%get3A_268] {strides = array<i32>} : memref<10240xf32, #tpu.memory_space<vmem>>, vector<16xf32>,
      %mul3A_270 = arith.mulf %max3A_265, %get3A_269 : vector<16xf32>
      %add3A_271 = arith.addf %add3A_259, %mul3A_270 : vector<16xf32>
      %swap3A = arith.index_cast %mul3A_26 : i32 to index
      %swap3A_272 = tpu.vector_load %arg14[%swap3A] {strides = array<i32>} : memref<512xf32, #tpu.memory_space<vmem>>, vector<16xf32>,
      tpu.vector_store %arg14[%swap3A], %add3A_271 {strides = array<i32>} : memref<512xf32, #tpu.memory_space<vmem>>, vector<16xf32>,
    }
    %scan3A_23 = arith.constant 32 : i32
    "tpu.region"() ({
      %run_scoped3A = tpu.sem_alloc : memref<!tpu.dma_semaphore, #tpu.memory_space<semaphore_mem>>
      %dma_start3A_24 = tpu.memref_slice %arg7[%mul3A_2] : memref<16384xf32, #tpu.memory_space<hbm>> -> memref<512xf32, #tpu.memory_space<hbm>>
      %dma_start3A_25 = tpu.memref_slice %arg7[%mul3A_2] : memref<16384xf32, #tpu.memory_space<hbm>> -> memref<512xf32, #tpu.memory_space<hbm>>
      tpu.enqueue_dma source(%arg14 : memref<512xf32, #tpu.memory_space<vmem>>) target(%dma_start3A_25 : memref<512xf32, #tpu.memory_space<hbm>>) target_semaphore(%run_scoped3A : memref<!tpu.dma_semaphore, #tpu.memory_space<semaphore_mem>>)
      %dma_wait3A_26 = tpu.memref_slice %arg7[%mul3A_2] : memref<16384xf32, #tpu.memory_space<hbm>> -> memref<512xf32, #tpu.memory_space<hbm>>
      %dma_wait3A_27 = tpu.memref_slice %arg7[%mul3A_2] : memref<16384xf32, #tpu.memory_space<hbm>> -> memref<512xf32, #tpu.memory_space<hbm>>
      tpu.wait_dma2 semaphore(%run_scoped3A : memref<!tpu.dma_semaphore, #tpu.memory_space<semaphore_mem>>) src(%arg14 : memref<512xf32, #tpu.memory_space<vmem>>) dst(%dma_wait3A_27 : memref<512xf32, #tpu.memory_space<hbm>>)
      tpu.yield
    }) : () -> ()
    return
  }
}

</mosaic_0001>

<sc_bundles>
// kernel: kernel.3.cloned.1.call-start
scs
__scs_entry_jumppad:
0x0: {  	(pc) =	sbr.rel $0x88, $3  }
0x1: {  	(tag) =	ssettag $0x0;
	lr =	simm.s32 $0x1  }
0x2: {  	[smem:$0x3F9C] =	sst lr;
	_ =	strace $0xD0000000  }
0x3: {  	_ = 	snop  }
0x4: {  	_ = 	snop  }
0x5: {  	_ = 	snop  }
0x6: {  	_ = 	snop  }
0x7: {  	_ = 	snop  }
__scs_overlays_trampoline_lowered:
0x8: {  	[smem:$0x3FAB] =	sst s0  }
0x9: {  	[smem:$0x3FAC] =	sst s1  }
0xa: {  	[smem:$0x3FAD] =	sst s2  }
0xb: {  	[smem:$0x3FAE] =	sst s3  }
0xc: {  	[smem:$0x3FAF] =	sst s4  }
0xd: {  	[smem:$0x3FB0] =	sst s5  }
0xe: {  	[smem:$0x3FB1] =	sst s6  }
0xf: {  	[smem:$0x3FB2] =	sst s7  }
0x10: {  	[smem:$0x3FB3] =	sst s8  }
0x11: {  	[smem:$0x3FB4] =	sst s9;
	s0 =	simm.s32 @!p0 $0x0  }
0x12: {  	s1 =	sld [smem:$0x3F9A];
	s0 =	simm.s32 @p0 $0x1  }
0x13: {  	[smem:$0x3FB5] =	sst s0;
	s0 =	simm.s32 @!p1 $0x0  }
0x14: {  	s2 =	sld [smem:$0x3F99];
	s0 =	simm.s32 @p1 $0x1  }
0x15: {  	[smem:$0x3FB6] =	sst s0;
	s0 =	simm.s32 @!p2 $0x0  }
0x16: {  	s3 =	sld [smem:$0x3FDB];
	s0 =	simm.s32 @p2 $0x1  }
0x17: {  	s4 =	simm.s32 $0x1BF5;
	[smem:$0x3FB8] =	sst s0  }
0x18: {  	s0 =	sld [smem:$0x3F9B];
	_ =	swait.ge [sflag:s4], $0x0  }
0x19: {  	s7 =	sld [smem:$0x3F9C]  }
0x1a: {  	s8 =	sadd.s32 $0xFFFFE003, lr  }
0x1b: {  	s9 =	sadd.s32 $0xFFFFFEF7, lr;
	s5 =	simm.s32 $0xFFFFFFFF;
	p2 =	slt.u32 s8, $0xFFFFF086  }
0x1c: {  	p1 =	slt.u32 s9, $0xF7A;
	s5 =	simm.s32 @!p2 $0x0  }
0x1d: {  	s5 =	simm.s32 @p1 $0x1;
	p0 =	seq.s32 s7, s2  }
0x1e: {  	s7 =	smul.u32 @!p0 $0xF7A, s2;
	p2 =	seq.s32 @!p0 s5, $0x0  }
0x1f: {  	s9 =	smul.u32 $0xF7A, s1;
	s8 =	simm.s32 @!p0 $0x1BF5;
	p2 =	por !p2, p0  }
0x20: {  	[sflag:s8] =	ssyncset.s32 @!p0 $0xFFFFF086;
	s6 =	sadd.s32 @!p0 s3, s7;
	s7 =	simm.s32 @!p0 $0x108  }
0x21: {  	s3 =	sadd.s32 s3, s9;
	s6 =	sadd.s32 @!p0 $0x88, s6;
	s7 =	simm.s32 @p2 $0x1082  }
0x22: {  	[simem:s7], [sflag:s8] =	dma.local @!p0 [hbm:s6], $0xF7A  }
0x23: {  	s9 =	sor.u32 $0xD0000000, s2;
	s6 =	simm.s32 $0x108;
	_ =	swait.ge @!p0 [sflag:s8], $0x0  }
0x24: {  	s3 =	sadd.s32 $0x88, s3;
	s6 =	simm.s32 @!p1 $0x1082;
	[sflag:s4] =	ssyncset.s32 $0xFFFFF086  }
0x25: {  	[simem:s6], [sflag:s4] =	dma.local [hbm:s3], $0xF7A  }
0x26: {  	[smem:$0x3F9C] =	sst s1;
	(tag) =	ssettag s2;
	_ =	strace s9  }
0x27: {  	s1 =	sld [smem:$0x3FAC]  }
0x28: {  	s2 =	sld [smem:$0x3FAD]  }
0x29: {  	s4 =	sld [smem:$0x3FAF]  }
0x2a: {  	p0 =	seq.s32 s5, $0x0;
	s5 =	sld [smem:$0x3FB0]  }
0x2b: {  	s6 =	sld [smem:$0x3FB1]  }
0x2c: {  	s7 =	sld [smem:$0x3FB2]  }
0x2d: {  	s3 =	simm.s32 $0x108;
	s8 =	sld [smem:$0x3FB3]  }
0x2e: {  	s3 =	simm.s32 @!p0 $0x1082;
	s9 =	sld [smem:$0x3FB4]  }
0x2f: {  	lr =	sadd.s32 s0, s3;
	s0 =	sld [smem:$0x3FAB]  }
0x30: {  	s3 =	sld [smem:$0x3FAE]  }
0x31: {  	[smem:$0x3FB7] =	sst s10  }
0x32: {  	s10 =	sld [smem:$0x3FB5];
	_ =	sdelay $0x3  }
0x33: {  	p0 =	seq.s32 s10, $0x1;
	s10 =	sld [smem:$0x3FB7];
	_ =	sdelay $0x3  }
0x34: {  	[smem:$0x3FB7] =	sst s10  }
0x35: {  	s10 =	sld [smem:$0x3FB6];
	_ =	sdelay $0x3  }
0x36: {  	p1 =	seq.s32 s10, $0x1;
	s10 =	sld [smem:$0x3FB7];
	_ =	sdelay $0x3  }
0x37: {  	[smem:$0x3FB7] =	sst s10  }
0x38: {  	s10 =	sld [smem:$0x3FB8]  }
0x39: {  	_ = 	snop;
	(pc) =	sbr.ind lr, $3  }
0x3a: {  	_ = 	snop  }
0x3b: {  	_ = 	snop  }
0x3c: {  	p2 =	seq.s32 s10, $0x1;
	s10 =	sld [smem:$0x3FB7]  }
0x3d: {  	_ =	shalt  }
0x3e: {  	_ =	shalt  }
0x3f: {  	_ =	shalt  }
0x40: {  	_ =	shalt  }
0x41: {  	_ =	shalt  }
0x42: {  	_ =	shalt  }
0x43: {  	_ =	shalt  }
0x44: {  	_ =	shalt  }
0x45: {  	_ =	shalt  }
0x46: {  	_ =	shalt  }
0x47: {  	_ =	shalt  }
0x48: {  	_ =	shalt  }
0x49: {  	_ =	shalt  }
0x4a: {  	_ =	shalt  }
0x4b: {  	_ =	shalt  }
0x4c: {  	_ =	shalt  }
0x4d: {  	_ =	shalt  }
0x4e: {  	_ =	shalt  }
0x4f: {  	_ =	shalt  }
0x50: {  	_ =	shalt  }
0x51: {  	_ =	shalt  }
0x52: {  	_ =	shalt  }
0x53: {  	_ =	shalt  }
0x54: {  	_ =	shalt  }
0x55: {  	_ =	shalt  }
0x56: {  	_ =	shalt  }
0x57: {  	_ =	shalt  }
0x58: {  	_ =	shalt  }
0x59: {  	_ =	shalt  }
0x5a: {  	_ =	shalt  }
0x5b: {  	_ =	shalt  }
0x5c: {  	_ =	shalt  }
0x5d: {  	_ =	shalt  }
0x5e: {  	_ =	shalt  }
0x5f: {  	_ =	shalt  }
0x60: {  	_ =	shalt  }
0x61: {  	_ =	shalt  }
0x62: {  	_ =	shalt  }
0x63: {  	_ =	shalt  }
0x64: {  	_ =	shalt  }
0x65: {  	_ =	shalt  }
0x66: {  	_ =	shalt  }
0x67: {  	_ =	shalt  }
0x68: {  	_ =	shalt  }
0x69: {  	_ =	shalt  }
0x6a: {  	_ =	shalt  }
0x6b: {  	_ =	shalt  }
0x6c: {  	_ =	shalt  }
0x6d: {  	_ =	shalt  }
0x6e: {  	_ =	shalt  }
0x6f: {  	_ =	shalt  }
0x70: {  	_ =	shalt  }
0x71: {  	_ =	shalt  }
0x72: {  	_ =	shalt  }
0x73: {  	_ =	shalt  }
0x74: {  	_ =	shalt  }
0x75: {  	_ =	shalt  }
0x76: {  	_ =	shalt  }
0x77: {  	_ =	shalt  }
0x78: {  	_ =	shalt  }
0x79: {  	_ =	shalt  }
0x7a: {  	_ =	shalt  }
0x7b: {  	_ =	shalt  }
0x7c: {  	_ =	shalt  }
0x7d: {  	_ =	shalt  }
0x7e: {  	_ =	shalt  }
0x7f: {  	_ =	shalt  }
0x80: {  	_ =	shalt  }
0x81: {  	_ =	shalt  }
0x82: {  	_ =	shalt  }
0x83: {  	_ =	shalt  }
0x84: {  	_ =	shalt  }
0x85: {  	_ =	shalt  }
0x86: {  	_ =	shalt  }
0x87: {  	_ =	shalt  }
.Lfunc_end0:
.L_simem_size_0:
called_computation_lowered:
.L_overlay_start_0:
0x88: {  	s2 =	sld [smem:$0x3FD9]  }
0x89: {  	s3 =	sld [smem:$0x3FFE];
	_ =	sdelay $0x1  }
0x8a: {  	s1 =	srdreg.scid  }
0x8b: {  	s0 =	sand.u32 $0x1, s1  }
0x8c: {  	s17 =	sshll.u32 s0, $0xA;
	s2 =	sadd.s32 s3, s2  }
0x8d: {  	s2 =	sadd.s32 s2, s17  }
0x8e: {  	[smem:$0x3FC3] =	sst s2  }
0x8f: {  	_ = 	snop  }
0x90: {  	s2 =	sld [smem:$0x3FC9]  }
0x91: {  	s18 =	sld [smem:$0x3FC8]  }
0x92: {  	s4 =	sld [smem:$0x3FD0];
	(tm) =	ssettm $0x1  }
0x93: {  	s5 =	sld [smem:$0x3FFB];
	_ =	sdelay $0x3  }
0x94: {  	_ =	strace s5  }
0x95: {  	s5 =	sld [smem:$0x3FFC];
	_ =	sdelay $0x3  }
0x96: {  	_ =	strace s5  }
0x97: {  	s5 =	sld [smem:$0x3FFD];
	_ =	sdelay $0x3  }
0x98: {  	_ =	strace s5  }
0x99: {  	_ =	strace $0x8FFFFFFF  }
0x9a: {  	s19 =	sld [smem:$0x3FDB];
	_ =	sdelay $0x1  }
0x9b: {  	s6 =	simm.s32 $_scs_section_size  }
0x9c: {  	s7 =	simm.s32 $_size__tile_overlayer_lowered;
	s8 =	simm.s32 $_tile_overlayer_lowered  }
0x9d: {  	s22 =	simm.s32 $0x1BFF;
	s21 =	sshll.u32 s8, $0x1;
	s5 =	sadd.s32 s6, s19  }
0x9e: {  	s9 =	simm.s32 $0x0;
	s20 =	sshll.u32 s7, $0x1;
	s7 =	sadd.s32 s21, s5  }
0x9f: {  	[timem:s9], [sflag:s22] =	dma.local [hbm:s7], s20  }
0xa0: {  	_ =	swait.ge [sflag:s22], s20  }
0xa1: {  	s6 =	ssub.s32 $0x0, s20;
	[sflag:s22] =	ssyncset.done $0x0  }
0xa2: {  	[sflag:s22] =	ssyncadd.s32 s6;
	_ =	sdelay $0x1  }
0xa3: {  	s23 =	simm.s32 $0x1B8B  }
0xa4: {  	_ =	swait.ge [sflag:s23], $0x1  }
0xa5: {  	[sflag:s23] =	ssyncset.done $0x0  }
0xa6: {  	s25 =	simm.s32 $0x1B8E;
	s24 =	sld [smem:$0x3FFE];
	[sflag:s23] =	ssyncadd.s32 $0xFFFFFFFF  }
0xa7: {  	s26 =	simm.s32 $execute0_lowered;
	[smem:$0x3FD2] =	sst s25  }
0xa8: {  	s7 =	sshll.u32 s26, $0x1;
	_ =	strace $0x80000046;
	[dreg:$0x1] =	wrdreg $0xFFFFFFFF  }
0xa9: {  	s28 =	simm.s32 $_size_execute0_lowered;
	s5 =	sadd.s32 s5, s7;
	[dreg:$0x0] =	wrdreg $0x0  }
0xaa: {  	s7 =	sshll.u32 s28, $0x1;
	[dreg:$0x2] =	wrdreg s5  }
0xab: {  	[dreg:$0x3] =	wrdreg s7  }
0xac: {  	[dreg:$0x4] =	wrdreg $0xC0  }
0xad: {  	_ =	task [dreg:s9], $0x5FFFF  }
0xae: {  	[dreg:$0x1] =	wrdreg $0xFFFFFFFF  }
0xaf: {  	[dreg:$0x0] =	wrdreg $0x60  }
0xb0: {  	[dreg:$0x2] =	wrdreg s2  }
0xb1: {  	[dreg:$0x3] =	wrdreg s18  }
0xb2: {  	[dreg:$0x4] =	wrdreg s24  }
0xb3: {  	[dreg:$0x5] =	wrdreg s4  }
0xb4: {  	[dreg:$0x6] =	wrdreg $0x9  }
0xb5: {  	_ =	task.clear_ibuf [dreg:s9], $0x7FFFF;
	_ =	strace $0x90000046  }
0xb6: {  	s29 =	simm.s32 $0x9;
	_ =	strace $0x80000048  }
0xb7: {  	_ =	swait.ge [sflag:s29], $0x1  }
0xb8: {  	[sflag:s29] =	ssyncadd.s32 $0xFFFFFFFF  }
0xb9: {  	_ =	strace $0x90000048  }
0xba: {  	_ =	sfence  }
0xbb: {  	s30 =	sld [smem:$0x0];
	_ =	sdelay $0x2  }
0xbc: {  	s31 =	sshll.u32 s1, $0xD;
	s1 =	sshrl.u32 s1, $0x2  }
0xbd: {  	s3 =	sand.u32 $0x4000, s31;
	s1 =	sadd.s32 s1, s30  }
0xbe: {  	s0 =	sor.u32 s3, s0;
	s1 =	sshll.u32 s1, $0x11  }
0xbf: {  	s0 =	sor.u32 s1, s0  }
0xc0: {  	s0 =	sadd.s32 $0x8F2B, s0  }
0xc1: {  	[sflag:s0] =	ssyncadd.remote.s32 $0x1  }
0xc2: {  	_ =	sfence.sel $0xFFFF  }
0xc3: {  	[dreg:$0x0] =	wrdreg $0xFFFFFFFF;
	(pc) =	sbr.abs _section_cstart, $3  }
0xc4: {  	[dreg:$0x1] =	wrdreg $0xFFFFFFFF  }
0xc5: {  	_ =	task.clear_ibuf [dreg:s9], $0x2FFFF;
	_ =	strace $0x9FFFFFFF  }
0xc6: {  	(tm) =	ssettm $0x7FFFFFFF  }
0xc7: {  	_ =	shalt  }
tec
execute0_lowered:
.L_overlay_start_1:
0x0: {  	(tag) =	ssettag $0x1  }
0x1: {  	s7 =	rddreg [dreg:$0x0]  }
0x2: {  	s6 =	rddreg [dreg:$0x1]  }
0x3: {  	s1 =	rddreg [dreg:$0x2]  }
0x4: {  	s8 =	rddreg [dreg:$0x3]  }
0x5: {  	s0 =	rddreg [dreg:$0x4]  }
0x6: {  	s3 =	simm.s32 $0x0;
	s4 =	srdreg.scid;
	s2 =	stileid.u32  }
0x7: {  	s12 =	simm.s32 $0x5400;
	s13 =	simm.s32 $0x5600;
	s14 =	simm.s32 $0x2800  }
0x8: {  	s15 =	simm.s32 $0x400;
	s16 =	simm.s32 $0x2C00;
	s17 =	simm.s32 $0x2  }
0x9: {  	s18 =	simm.s32 $0x3;
	s19 =	simm.s32 $0x1;
	s20 =	simm.s32 $0x5800  }
0xa: {  	s21 =	simm.s32 $0x0;
	[smem:$0x7FF] =	sst s3;
	s4 =	sand.u32 $0x1, s4  }
0xb: {  	s5 =	sshll.u32 s2, $0x7;
	_ =	strace $0x80000047;
	s9 =	ssub.s32 $0x2, s4  }
0xc: {  	s10 =	sshll.u32 s4, $0x6;
	s4 =	sadd.s32 $0x281000, s1;
	s11 =	sshrl.u32 s9, $0x1  }
0xd: {  	s10 =	sor.u32 s10, s5;
	s5 =	sadd.s32 $0x262600, s1;
	s9 =	ssub.s32 s9, s11  }
0xe: {  	s6 =	sadd.s32 s6, s10;
	s7 =	sadd.s32 s7, s10;
	s8 =	sadd.s32 s8, s10  }
0xf: {  	s10 =	simm.s32 $0x4;
	s11 =	simm.s32 $0x200;
	s9 =	smax.u32 s9, $0x1  }
.LBB2_1:
0x10: {  	[tilespmem:s3], [sflag:$0x4] =	stream.linear.gather [hbm4b:s6+s3], $0x200, $0x38;
	[tilespmem:$0x5A00] =	vst v63  }
0x11: {  	_ =	swait.ge [sflag:s10], $0x200  }
0x12: {  	[sflag:s10] =	ssyncset.done $0x0  }
0x13: {  	[sflag:s10] =	ssyncadd.s32 $0xFFFFFE00  }
0x14: {  	[tilespmem:s12], [sflag:$0x2] =	stream.indirect.gather [hbm4b:s4+s11], $0x1, s3, s11, $0xb8;
	[tilespmem:$0x5A00] =	vst v63  }
0x15: {  	s22 =	simm.s32 $0x0  }
0x16: {  	[tilespmem:s13], [sflag:$0x3] =	stream.indirect.gather [hbm4b:s5+s11], $0x1, s3, s11, $0xb8;
	[tilespmem:$0x5A00] =	vst v63  }
0x17: {  	v6 =	vld [tilespmem:s22+$0x0];
	_ =	sdelay $0x4  }
0x18: {  	v2 =	vadd.s32 $0xE4E1C0, v6;
	v3 =	vadd.s32 $0x121EAC0, v6  }
0x19: {  	v0 =	vadd.s32 $0x1E8480, v6;
	v7 =	vadd.s32 $0x7A1200, v6;
	[tilespmem:s22+$0x400] =	vst v6  }
0x1a: {  	v1 =	vadd.s32 $0x2DC6C0, v6;
	v4 =	vadd.s32 $0xD59F80, v6;
	[tilespmem:s22+$0x2A00] =	vst v3  }
0x1b: {  	v8 =	vadd.s32 $0x895440, v6;
	v5 =	vadd.s32 $0xF42400, v6;
	[tilespmem:s22+$0x2000] =	vst v4  }
0x1c: {  	v10 =	vadd.s32 $0x989680, v6;
	v9 =	vadd.s32 $0x1036640, v6;
	[tilespmem:s22+$0x2400] =	vst v5  }
0x1d: {  	v11 =	vadd.s32 $0xA7D8C0, v6;
	v12 =	vadd.s32 $0xB71B00, v6;
	[tilespmem:s22+$0x2600] =	vst v9  }
0x1e: {  	v4 =	vadd.s32 $0x112A880, v6;
	v3 =	vadd.s32 $0x3D0900, v6;
	[tilespmem:s22+$0x1C00] =	vst v12  }
0x1f: {  	v5 =	vadd.s32 $0xC65D40, v6;
	[tilespmem:s22+$0x2800] =	vst v4;
	v4 =	vadd.s32 $0x4C4B40, v6  }
0x20: {  	s23 =	simm.s32 $0x40;
	v9 =	vadd.s32 $0xF4240, v6;
	[tilespmem:s22+$0x1E00] =	vst v5;
	v5 =	vadd.s32 $0x5B8D80, v6;
	v6 =	vadd.s32 $0x6ACFC0, v6  }
.LBB2_2:
0x21: {  	s24 =	sshra.s32 s23, $0x2;
	p0 =	sne.s32 s23, $0x7C0;
	s23 =	sadd.s32 $0x40, s23;
	[tilespmem:s22+$0x1A00] =	vst v11  }
0x22: {  	v12 =	vld [tilespmem:s24+$0x0];
	[tilespmem:s22+$0x1400] =	vst v7  }
0x23: {  	[tilespmem:s22+$0x1600] =	vst v8  }
0x24: {  	[tilespmem:s22+$0x2200] =	vst v2  }
0x25: {  	[tilespmem:s22+$0x600] =	vst v9  }
0x26: {  	[tilespmem:s22+$0x1800] =	vst v10  }
0x27: {  	v9 =	vadd.s32 $0xF4240, v12;
	v2 =	vadd.s32 $0xE4E1C0, v12;
	v13 =	vadd.s32 $0x121EAC0, v12;
	[tilespmem:s22+$0x800] =	vst v0  }
0x28: {  	v0 =	vadd.s32 $0x1E8480, v12;
	v7 =	vadd.s32 $0x7A1200, v12;
	[tilespmem:s22+$0xA00] =	vst v1  }
0x29: {  	v8 =	vadd.s32 $0x895440, v12;
	v1 =	vadd.s32 $0x2DC6C0, v12;
	[tilespmem:s22+$0xC00] =	vst v3  }
0x2a: {  	v10 =	vadd.s32 $0x989680, v12;
	v3 =	vadd.s32 $0x3D0900, v12;
	[tilespmem:s24+$0x400] =	vst v12  }
0x2b: {  	v11 =	vadd.s32 $0xA7D8C0, v12;
	[tilespmem:s22+$0xE00] =	vst v4;
	v4 =	vadd.s32 $0x4C4B40, v12  }
0x2c: {  	v14 =	vadd.s32 $0xC65D40, v12;
	[tilespmem:s22+$0x1000] =	vst v5;
	v5 =	vadd.s32 $0x5B8D80, v12  }
0x2d: {  	v15 =	vadd.s32 $0xB71B00, v12;
	[tilespmem:s22+$0x1200] =	vst v6;
	v6 =	vadd.s32 $0x6ACFC0, v12;
	s22 =	smov.u32 s24  }
0x2e: {  	v16 =	vadd.s32 $0xD59F80, v12;
	v17 =	vadd.s32 $0x1036640, v12;
	[tilespmem:s22+$0x2A00] =	vst v13  }
0x2f: {  	v13 =	vadd.s32 $0xF42400, v12;
	v12 =	vadd.s32 $0x112A880, v12;
	[tilespmem:s22+$0x2000] =	vst v16  }
.Ltmp0:
0x30: {  	[tilespmem:s22+$0x2800] =	vst v12;
	(pc) =	sbr.rel @p0 .LBB2_2-.Ltmp0, $4  }
0x31: {  	[tilespmem:s22+$0x2400] =	vst v13  }
0x32: {  	[tilespmem:s22+$0x2600] =	vst v17  }
0x33: {  	[tilespmem:s22+$0x1E00] =	vst v14  }
0x34: {  	[tilespmem:s22+$0x1C00] =	vst v15  }
0x35: {  	[tilespmem:s22+$0x1A00] =	vst v11  }
0x36: {  	[tilespmem:s22+$0x1400] =	vst v7  }
0x37: {  	[tilespmem:s22+$0x1600] =	vst v8  }
0x38: {  	[tilespmem:s22+$0x2200] =	vst v2  }
0x39: {  	[tilespmem:s22+$0x600] =	vst v9  }
0x3a: {  	[tilespmem:s22+$0x1800] =	vst v10  }
0x3b: {  	[tilespmem:s22+$0x800] =	vst v0  }
0x3c: {  	[tilespmem:s22+$0xA00] =	vst v1  }
0x3d: {  	[tilespmem:s22+$0xC00] =	vst v3  }
0x3e: {  	[tilespmem:s22+$0xE00] =	vst v4  }
0x3f: {  	[tilespmem:s22+$0x1000] =	vst v5  }
0x40: {  	[tilespmem:s22+$0x1200] =	vst v6  }
0x41: {  	[tilespmem:s16], [sflag:$0x1] =	stream.indirect.gather [hbm4b:s1+s14], $0x1, s15, s14, $0xb8;
	[tilespmem:$0x5A00] =	vst v63  }
0x42: {  	s31 =	simm.s32 $0x0  }
0x43: {  	[tilespmem:s11], [sflag:$0x4] =	stream.linear.gather [hbm4b:s7+s31], $0x200, $0x38;
	[tilespmem:$0x5A00] =	vst v63  }
0x44: {  	_ =	swait.ge [sflag:s10], $0x200  }
0x45: {  	[sflag:s10] =	ssyncset.done $0x0  }
0x46: {  	[sflag:s10] =	ssyncadd.s32 $0xFFFFFE00  }
0x47: {  	_ =	swait.ge [sflag:s17], $0x200  }
0x48: {  	[sflag:s17] =	ssyncset.done $0x0  }
0x49: {  	[sflag:s17] =	ssyncadd.s32 $0xFFFFFE00  }
0x4a: {  	_ =	swait.ge [sflag:s18], $0x200  }
0x4b: {  	[sflag:s18] =	ssyncset.done $0x0  }
0x4c: {  	[sflag:s18] =	ssyncadd.s32 $0xFFFFFE00  }
0x4d: {  	_ =	swait.ge [sflag:s19], $0x2800  }
0x4e: {  	[sflag:s19] =	ssyncset.done $0x0  }
0x4f: {  	s23 =	simm.s32 $0x0;
	[sflag:s19] =	ssyncadd.s32 $0xFFFFD800  }
0x50: {  	v0 =	vld [tilespmem:s23+$0x200]  }
0x51: {  	v1 =	vld [tilespmem:s23+$0x5600]  }
0x52: {  	v2 =	vld [tilespmem:s23+$0x5400]  }
0x53: {  	v3 =	vld [tilespmem:s23+$0x2C00];
	_ =	sdelay $0x1  }
0x54: {  	v5 =	vld [tilespmem:s23+$0x2E00];
	v4 =	vadd.f32 $-4.000000000e+01, v0  }
0x55: {  	v1 =	vmul.f32 v1, v0  }
0x56: {  	v7 =	vld [tilespmem:s23+$0x3000];
	v6 =	vadd.f32 $-8.000000000e+01, v0;
	v4 =	vmax.f32 v4, $0.0e+00  }
0x57: {  	v1 =	vadd.f32 v1, v2;
	v2 =	vmul.f32 v3, v4  }
0x58: {  	v3 =	vadd.f32 $-1.200000000e+02, v0;
	v4 =	vmax.f32 v6, $0.0e+00;
	v6 =	vld [tilespmem:s23+$0x3200]  }
0x59: {  	v1 =	vadd.f32 v2, v1;
	v2 =	vmul.f32 v5, v4  }
0x5a: {  	v4 =	vadd.f32 $-1.600000000e+02, v0;
	v3 =	vmax.f32 v3, $0.0e+00;
	v5 =	vld [tilespmem:s23+$0x3400]  }
0x5b: {  	v1 =	vadd.f32 v2, v1;
	v2 =	vmul.f32 v7, v3  }
0x5c: {  	v3 =	vadd.f32 $-2.000000000e+02, v0;
	v4 =	vmax.f32 v4, $0.0e+00;
	v7 =	vld [tilespmem:s23+$0x3600]  }
0x5d: {  	v1 =	vadd.f32 v2, v1;
	v2 =	vmul.f32 v6, v4  }
0x5e: {  	v4 =	vadd.f32 $-2.400000000e+02, v0;
	v3 =	vmax.f32 v3, $0.0e+00;
	v6 =	vld [tilespmem:s23+$0x3800]  }
0x5f: {  	v1 =	vadd.f32 v2, v1;
	v2 =	vmul.f32 v5, v3  }
0x60: {  	v3 =	vmax.f32 v4, $0.0e+00;
	v4 =	vadd.f32 $-2.800000000e+02, v0;
	v5 =	vld [tilespmem:s23+$0x3A00]  }
0x61: {  	v1 =	vadd.f32 v2, v1;
	v2 =	vmul.f32 v7, v3  }
0x62: {  	v3 =	vmax.f32 v4, $0.0e+00;
	v4 =	vadd.f32 $-3.200000000e+02, v0;
	v7 =	vld [tilespmem:s23+$0x3C00]  }
0x63: {  	v1 =	vadd.f32 v2, v1;
	v2 =	vmul.f32 v6, v3  }
0x64: {  	v14 =	vadd.f32 $-4.400000000e+02, v0;
	v3 =	vmax.f32 v4, $0.0e+00;
	v4 =	vadd.f32 $-3.600000000e+02, v0;
	v6 =	vld [tilespmem:s23+$0x3E00]  }
0x65: {  	v9 =	vadd.f32 $-4.000000000e+02, v0;
	v5 =	vmul.f32 v5, v3;
	v8 =	vadd.f32 v2, v1  }
0x66: {  	s22 =	simm.s32 $0x10;
	v10 =	vld [tilespmem:s23+$0x4000];
	v15 =	vmax.f32 v14, $0.0e+00;
	v14 =	vadd.f32 $-4.800000000e+02, v0;
	v4 =	vmax.f32 v4, $0.0e+00  }
0x67: {  	v3 =	vadd.f32 $-7.600000000e+02, v0;
	v2 =	vld [tilespmem:s22+$0x200];
	v7 =	vmul.f32 v7, v4;
	v8 =	vadd.f32 v5, v8  }
0x68: {  	v11 =	vmax.f32 v9, $0.0e+00;
	v9 =	vld [tilespmem:s23+$0x4200];
	v1 =	vadd.f32 $-8.000000000e+02, v0;
	v4 =	vadd.f32 $-7.200000000e+02, v0  }
0x69: {  	v5 =	vadd.f32 $-6.800000000e+02, v0;
	v13 =	vmul.f32 v6, v11;
	v6 =	vld [tilespmem:s23+$0x4800];
	v12 =	vadd.f32 v7, v8  }
0x6a: {  	s24 =	simm.s32 $0x80;
	v11 =	vld [tilespmem:s23+$0x4400];
	v7 =	vadd.f32 $-6.400000000e+02, v0;
	v8 =	vadd.f32 $-6.000000000e+02, v0  }
.LBB2_4:
0x6b: {  	p0 =	sne.s32 s24, $0x7C0;
	v16 =	vld [tilespmem:s22+$0x5600];
	v12 =	vadd.f32 v13, v12;
	v10 =	vmul.f32 v10, v15;
	v13 =	vadd.f32 $-5.600000000e+02, v0  }
0x6c: {  	v17 =	vadd.f32 $-5.200000000e+02, v0;
	v15 =	vadd.f32 $-2.400000000e+02, v2;
	v14 =	vmax.f32 v14, $0.0e+00;
	v18 =	vld [tilespmem:s23+$0x4600];
	v0 =	vmovc v2  }
0x6d: {  	v2 =	vld [tilespmem:s22+$0x5400];
	v19 =	vadd.f32 $-2.000000000e+02, v0;
	v10 =	vadd.f32 v10, v12;
	v9 =	vmul.f32 v9, v14  }
0x6e: {  	v14 =	vadd.f32 $-1.200000000e+02, v0;
	v20 =	vadd.f32 $-1.600000000e+02, v0;
	v17 =	vmax.f32 v17, $0.0e+00;
	v12 =	vld [tilespmem:s22+$0x2C00]  }
0x6f: {  	v21 =	vadd.f32 $-8.000000000e+01, v0;
	v9 =	vadd.f32 v9, v10;
	v10 =	vmul.f32 v11, v17;
	v11 =	vld [tilespmem:s23+$0x4A00]  }
0x70: {  	v13 =	vmax.f32 v13, $0.0e+00;
	v17 =	vadd.f32 $-4.000000000e+01, v0;
	v16 =	vmul.f32 v16, v0;
	v22 =	vld [tilespmem:s22+$0x2E00]  }
0x71: {  	v7 =	vmax.f32 v7, $0.0e+00;
	v9 =	vadd.f32 v10, v9;
	v10 =	vmul.f32 v18, v13;
	v13 =	vld [tilespmem:s23+$0x4C00]  }
0x72: {  	v8 =	vmax.f32 v8, $0.0e+00;
	v2 =	vadd.f32 v16, v2;
	v16 =	vmax.f32 v17, $0.0e+00;
	v17 =	vld [tilespmem:s22+$0x3000]  }
0x73: {  	v6 =	vmul.f32 v6, v8;
	v12 =	vmul.f32 v12, v16;
	v9 =	vadd.f32 v10, v9;
	v8 =	vld [tilespmem:s23+$0x4E00]  }
0x74: {  	v5 =	vmax.f32 v5, $0.0e+00;
	v10 =	vmax.f32 v21, $0.0e+00;
	v16 =	vld [tilespmem:s22+$0x3200];
	v7 =	vmul.f32 v11, v7  }
0x75: {  	v2 =	vadd.f32 v12, v2;
	v10 =	vmul.f32 v22, v10;
	v6 =	vadd.f32 v6, v9;
	v9 =	vld [tilespmem:s23+$0x5000]  }
0x76: {  	v4 =	vmax.f32 v4, $0.0e+00;
	v11 =	vmax.f32 v14, $0.0e+00;
	v12 =	vld [tilespmem:s22+$0x3400];
	v5 =	vmul.f32 v13, v5  }
0x77: {  	v2 =	vadd.f32 v10, v2;
	v10 =	vmul.f32 v17, v11;
	v6 =	vadd.f32 v7, v6;
	v7 =	vld [tilespmem:s23+$0x5200]  }
0x78: {  	v3 =	vmax.f32 v3, $0.0e+00;
	v11 =	vmax.f32 v20, $0.0e+00;
	v13 =	vld [tilespmem:s22+$0x3600];
	v4 =	vmul.f32 v8, v4  }
0x79: {  	v2 =	vadd.f32 v10, v2;
	v8 =	vmul.f32 v16, v11;
	v5 =	vadd.f32 v5, v6  }
0x7a: {  	v1 =	vmax.f32 v1, $0.0e+00;
	v6 =	vmax.f32 v19, $0.0e+00;
	v10 =	vld [tilespmem:s22+$0x3800];
	v3 =	vmul.f32 v9, v3  }
0x7b: {  	v2 =	vadd.f32 v8, v2;
	v6 =	vmul.f32 v12, v6;
	v4 =	vadd.f32 v4, v5  }
0x7c: {  	v5 =	vmax.f32 v15, $0.0e+00;
	v8 =	vadd.f32 $-2.800000000e+02, v0;
	v9 =	vld [tilespmem:s22+$0x3A00];
	v1 =	vmul.f32 v7, v1  }
0x7d: {  	v2 =	vadd.f32 v6, v2;
	v5 =	vmul.f32 v13, v5;
	v3 =	vadd.f32 v3, v4  }
0x7e: {  	v4 =	vmax.f32 v8, $0.0e+00;
	v6 =	vadd.f32 $-3.200000000e+02, v0;
	v7 =	vld [tilespmem:s22+$0x3C00]  }
0x7f: {  	v2 =	vadd.f32 v5, v2;
	v4 =	vmul.f32 v10, v4;
	v3 =	vadd.f32 v1, v3  }
0x80: {  	v1 =	vmax.f32 v6, $0.0e+00;
	v5 =	vadd.f32 $-3.600000000e+02, v0;
	v6 =	vld [tilespmem:s22+$0x3E00]  }
0x81: {  	v4 =	vadd.f32 v4, v2;
	v8 =	vmul.f32 v9, v1;
	v1 =	vadd.f32 $-8.000000000e+02, v0;
	[tilespmem:s23+$0x5800] =	vst v3;
	s23 =	smov.u32 s22  }
.Ltmp1:
0x82: {  	s22 =	sshra.s32 s24, $0x2;
	v5 =	vmax.f32 v5, $0.0e+00;
	v9 =	vadd.f32 $-4.000000000e+02, v0;
	v3 =	vadd.f32 $-7.600000000e+02, v0;
	v10 =	vld [tilespmem:s23+$0x4000];
	(pc) =	sbr.rel @p0 .LBB2_4-.Ltmp1, $4  }
0x83: {  	v2 =	vld [tilespmem:s22+$0x200];
	v8 =	vadd.f32 v8, v4;
	v7 =	vmul.f32 v7, v5;
	v4 =	vadd.f32 $-7.200000000e+02, v0  }
0x84: {  	v14 =	vadd.f32 $-4.400000000e+02, v0;
	v11 =	vmax.f32 v9, $0.0e+00;
	v5 =	vadd.f32 $-6.800000000e+02, v0;
	v9 =	vld [tilespmem:s23+$0x4200]  }
0x85: {  	v12 =	vadd.f32 v7, v8;
	v13 =	vmul.f32 v6, v11;
	v6 =	vld [tilespmem:s23+$0x4800];
	v7 =	vadd.f32 $-6.400000000e+02, v0  }
0x86: {  	v15 =	vmax.f32 v14, $0.0e+00;
	v14 =	vadd.f32 $-4.800000000e+02, v0;
	s24 =	sadd.s32 $0x40, s24;
	v8 =	vadd.f32 $-6.000000000e+02, v0;
	v11 =	vld [tilespmem:s23+$0x4400]  }
0x87: {  	v16 =	vld [tilespmem:s22+$0x5600];
	v12 =	vadd.f32 v13, v12;
	v10 =	vmul.f32 v10, v15;
	v42 =	vadd.f32 $-5.600000000e+02, v0  }
0x88: {  	v44 =	vadd.f32 $-5.200000000e+02, v0;
	v17 =	vld [tilespmem:s23+$0x4600];
	v7 =	vmax.f32 v7, $0.0e+00;
	v14 =	vmax.f32 v14, $0.0e+00  }
0x89: {  	v18 =	vld [tilespmem:s22+$0x5400];
	v5 =	vmax.f32 v5, $0.0e+00;
	v10 =	vadd.f32 v10, v12;
	v9 =	vmul.f32 v9, v14  }
0x8a: {  	v45 =	vld [tilespmem:s22+$0x2C00];
	v4 =	vmax.f32 v4, $0.0e+00;
	v3 =	vmax.f32 v3, $0.0e+00;
	v0 =	vmax.f32 v44, $0.0e+00  }
0x8b: {  	v47 =	vld [tilespmem:s23+$0x4A00];
	v1 =	vmax.f32 v1, $0.0e+00;
	v9 =	vadd.f32 v9, v10;
	v0 =	vmul.f32 v11, v0  }
0x8c: {  	v22 =	vld [tilespmem:s22+$0x2E00];
	v49 =	vadd.f32 $-4.000000000e+01, v2;
	v8 =	vmax.f32 v8, $0.0e+00;
	v13 =	vmax.f32 v42, $0.0e+00  }
0x8d: {  	v51 =	vld [tilespmem:s23+$0x4C00];
	v48 =	vmul.f32 v16, v2;
	v50 =	vmul.f32 v17, v13;
	v0 =	vadd.f32 v0, v9  }
0x8e: {  	v52 =	vld [tilespmem:s22+$0x3000];
	v21 =	vadd.f32 $-8.000000000e+01, v2;
	v6 =	vmul.f32 v6, v8;
	v16 =	vmax.f32 v49, $0.0e+00  }
0x8f: {  	v53 =	vld [tilespmem:s23+$0x4E00];
	v12 =	vmul.f32 v45, v16;
	v11 =	vadd.f32 v48, v18;
	v0 =	vadd.f32 v50, v0  }
0x90: {  	v55 =	vld [tilespmem:s22+$0x3200];
	v46 =	vadd.f32 $-1.200000000e+02, v2;
	v54 =	vmax.f32 v21, $0.0e+00;
	v7 =	vmul.f32 v47, v7  }
0x91: {  	v57 =	vld [tilespmem:s23+$0x5000];
	v9 =	vmul.f32 v22, v54;
	v56 =	vadd.f32 v12, v11;
	v0 =	vadd.f32 v6, v0  }
0x92: {  	v59 =	vld [tilespmem:s22+$0x3400];
	v20 =	vadd.f32 $-1.600000000e+02, v2;
	v58 =	vmax.f32 v46, $0.0e+00;
	v5 =	vmul.f32 v51, v5  }
0x93: {  	v61 =	vld [tilespmem:s23+$0x5200];
	v60 =	vmul.f32 v52, v58;
	v9 =	vadd.f32 v9, v56;
	v0 =	vadd.f32 v7, v0  }
0x94: {  	v63 =	vld [tilespmem:s22+$0x3600];
	v19 =	vadd.f32 $-2.000000000e+02, v2;
	v62 =	vmax.f32 v20, $0.0e+00;
	v4 =	vmul.f32 v53, v4  }
0x95: {  	v17 =	vmul.f32 v55, v62;
	v14 =	vadd.f32 v60, v9;
	v0 =	vadd.f32 v5, v0  }
0x96: {  	v43 =	vadd.f32 $-2.400000000e+02, v2;
	v3 =	vmul.f32 v57, v3;
	v18 =	vmax.f32 v19, $0.0e+00;
	v19 =	vld [tilespmem:s22+$0x3800]  }
0x97: {  	v5 =	vmul.f32 v59, v18;
	v20 =	vadd.f32 v17, v14;
	v0 =	vadd.f32 v4, v0  }
0x98: {  	v23 =	vld [tilespmem:s22+$0x3A00];
	v21 =	vmax.f32 v43, $0.0e+00;
	v1 =	vmul.f32 v61, v1;
	v22 =	vadd.f32 $-2.800000000e+02, v2  }
0x99: {  	v4 =	vmul.f32 v63, v21;
	v5 =	vadd.f32 v5, v20;
	v0 =	vadd.f32 v3, v0  }
0x9a: {  	v26 =	vld [tilespmem:s22+$0x3C00];
	v25 =	vadd.f32 $-3.200000000e+02, v2;
	v24 =	vmax.f32 v22, $0.0e+00  }
0x9b: {  	v3 =	vmul.f32 v19, v24;
	v4 =	vadd.f32 v4, v5;
	v0 =	vadd.f32 v1, v0  }
0x9c: {  	v29 =	vld [tilespmem:s22+$0x3E00];
	v28 =	vadd.f32 $-3.600000000e+02, v2;
	v27 =	vmax.f32 v25, $0.0e+00  }
0x9d: {  	v1 =	vmul.f32 v23, v27;
	v3 =	vadd.f32 v3, v4;
	[tilespmem:s23+$0x5800] =	vst v0  }
0x9e: {  	v31 =	vadd.f32 $-4.000000000e+02, v2;
	v30 =	vmax.f32 v28, $0.0e+00;
	v32 =	vld [tilespmem:s22+$0x4000]  }
0x9f: {  	v0 =	vmul.f32 v26, v30;
	v1 =	vadd.f32 v1, v3  }
0xa0: {  	v34 =	vadd.f32 $-4.400000000e+02, v2;
	v33 =	vmax.f32 v31, $0.0e+00;
	v35 =	vld [tilespmem:s22+$0x4200]  }
0xa1: {  	v36 =	vmul.f32 v29, v33;
	v0 =	vadd.f32 v0, v1  }
0xa2: {  	v38 =	vadd.f32 $-4.800000000e+02, v2;
	v37 =	vmax.f32 v34, $0.0e+00;
	v39 =	vld [tilespmem:s22+$0x4400]  }
0xa3: {  	v0 =	vadd.f32 v36, v0;
	v40 =	vmul.f32 v32, v37  }
0xa4: {  	v42 =	vadd.f32 $-5.200000000e+02, v2;
	v41 =	vmax.f32 v38, $0.0e+00;
	v43 =	vld [tilespmem:s22+$0x4600]  }
0xa5: {  	v44 =	vmul.f32 v35, v41;
	v0 =	vadd.f32 v40, v0  }
0xa6: {  	v46 =	vadd.f32 $-5.600000000e+02, v2;
	v4 =	vmax.f32 v42, $0.0e+00;
	v45 =	vld [tilespmem:s22+$0x4800]  }
0xa7: {  	v47 =	vmul.f32 v39, v4;
	v0 =	vadd.f32 v44, v0  }
0xa8: {  	v48 =	vadd.f32 $-6.000000000e+02, v2;
	v7 =	vmax.f32 v46, $0.0e+00;
	v49 =	vld [tilespmem:s22+$0x4A00]  }
0xa9: {  	v50 =	vmul.f32 v43, v7;
	v0 =	vadd.f32 v47, v0  }
0xaa: {  	v51 =	vadd.f32 $-6.400000000e+02, v2;
	v52 =	vld [tilespmem:s22+$0x4C00];
	v4 =	vmax.f32 v48, $0.0e+00  }
0xab: {  	v53 =	vmul.f32 v45, v4;
	v0 =	vadd.f32 v50, v0  }
0xac: {  	v54 =	vadd.f32 $-6.800000000e+02, v2;
	v55 =	vmax.f32 v51, $0.0e+00;
	v56 =	vld [tilespmem:s22+$0x4E00]  }
0xad: {  	v4 =	vmul.f32 v49, v55;
	v0 =	vadd.f32 v53, v0  }
0xae: {  	v57 =	vadd.f32 $-7.200000000e+02, v2;
	v3 =	vmax.f32 v54, $0.0e+00;
	v58 =	vld [tilespmem:s22+$0x5000]  }
0xaf: {  	v3 =	vmul.f32 v52, v3;
	v0 =	vadd.f32 v4, v0  }
0xb0: {  	v59 =	vadd.f32 $-7.600000000e+02, v2;
	v60 =	vld [tilespmem:s22+$0x5200];
	v1 =	vmax.f32 v57, $0.0e+00  }
0xb1: {  	v1 =	vmul.f32 v56, v1;
	v0 =	vadd.f32 v3, v0  }
0xb2: {  	v61 =	vadd.f32 $-8.000000000e+02, v2;
	v62 =	vmax.f32 v59, $0.0e+00  }
0xb3: {  	v3 =	vmul.f32 v58, v62;
	v0 =	vadd.f32 v1, v0  }
0xb4: {  	v63 =	vmax.f32 v61, $0.0e+00  }
0xb5: {  	v1 =	vmul.f32 v60, v63;
	v0 =	vadd.f32 v3, v0;
	_ =	sdelay $0x1  }
0xb6: {  	s21 =	sadd.s32 $0x1, s21;
	v0 =	vadd.f32 v1, v0  }
0xb7: {  	p0 =	sne.s32 s21, s9  }
.Ltmp2:
0xb8: {  	[tilespmem:s22+$0x5800] =	vst v0;
	(pc) =	sbr.rel @p0 .LBB2_1-.Ltmp2, $4  }
0xb9: {  	[hbm4b:s8+s3] =	stream.linear.scatter [tilespmem:s20], [sflag:$0x4], $0x200, $0x38;
	[tilespmem:$0x5A00] =	vst v63  }
0xba: {  	_ =	swait.ge [sflag:s10], $0x200  }
0xbb: {  	[sflag:s10] =	ssyncset.done $0x0  }
0xbc: {  	[sflag:s10] =	ssyncadd.s32 $0xFFFFFE00  }
0xbd: {  	_ =	sfence.sel $0x180000  }
0xbe: {  	[bflag:$0x0] =	sbarrier.arrive $0xFFFF  }
0xbf: {  	p0 =	sne.s32 s2, $0x0;
	_ =	strace $0x90000047  }
0xc0: {  	s0 =	sadd.s32 @!p0 $0x100000, s0;
	[bflag:$0x2] =	sbarrier.arrive $0xFFFF  }
0xc1: {  	[sflag:s0] =	ssyncadd.tile.s32 @!p0 $0x1;
	_ =	shalt  }
.Lfunc_end2:
_tile_overlayer_lowered:
.L_overlay_start_2:
0xc2: {  	(tag) =	ssettag $0x2  }
0xc3: {  	s0 =	rddreg [dreg:$0x0];
	s2 =	stileid.u32  }
0xc4: {  	s1 =	rddreg [dreg:$0x1];
	p0 =	sne.s32 s2, $0x0  }
0xc5: {  	s3 =	rddreg [dreg:$0x2];
	[bflag:$0x3] =	sbarrier.arrive $0xFFFF;
	s2 =	simm.s32 @!p0 $0x1C04  }
0xc6: {  	[timem:s3], [sflag:s2] =	dma.local @!p0 [hbm:s0], s1  }
0xc7: {  	s0 =	simm.s32 @!p0 $0x4  }
0xc8: {  	_ =	swait.ge @!p0 [sflag:s0], s1  }
0xc9: {  	s1 =	ssub.s32 @!p0 $0x0, s1;
	[sflag:s0] =	ssyncset.done @!p0 $0x0  }
0xca: {  	[sflag:s0] =	ssyncadd.s32 @!p0 s1  }
0xcb: {  	[bflag:$0x3] =	sbarrier.arrive $0xFFFF  }
0xcc: {  	_ =	shalt  }

</sc_bundles>
